<compile_context>
chip_gen: v7x
topology: tpu7x:2x2x1
jax: 0.10.2.dev20260603
libtpu: 0.0.44.dev20260713+nightly
codegen_flags: <defaults>
</compile_context>

<pallas_src>
import jax
import jax.numpy as jnp
from jax import lax
from jax.experimental import pallas as pl
from jax.experimental.pallas import tpu as pltpu
from jax.experimental.pallas import tpu_sc as plsc

N = 1_000_000
NC = 2
NS = 16
NW = NC * NS
L = 16
G = 8

CHUNK = (N // NW) // (G * L) * (G * L)
TAIL = N - CHUNK * NW
TBL = 18


def _gather_group(z_ref, s_ref, t_ref, scale_v, shift_v, off, n_chains):
    zs = [z_ref[pl.ds(off + k * L, L)] for k in range(n_chains)]
    svs = [plsc.load_gather(scale_v, [zv]) for zv in zs]
    tvs = [plsc.load_gather(shift_v, [zv]) for zv in zs]
    for k in range(n_chains):
        s_ref[pl.ds(off + k * L, L)] = svs[k]
        t_ref[pl.ds(off + k * L, L)] = tvs[k]


def _gather_body(z_hbm, scale_hbm, shift_hbm, s_hbm, t_hbm,
                 z_v, s_v, t_v, scale_v, shift_v):
    wid = lax.axis_index("s") * NC + lax.axis_index("c")
    base = wid * CHUNK

    pltpu.sync_copy(scale_hbm, scale_v)
    pltpu.sync_copy(shift_hbm, shift_v)

    pltpu.sync_copy(z_hbm.at[pl.ds(base, CHUNK)], z_v)

    def body(i, _):
        _gather_group(z_v, s_v, t_v, scale_v, shift_v, i * (G * L), G)
        return _

    lax.fori_loop(0, CHUNK // (G * L), body, None)

    pltpu.sync_copy(s_v, s_hbm.at[pl.ds(base, CHUNK)])
    pltpu.sync_copy(t_v, t_hbm.at[pl.ds(base, CHUNK)])

    @pl.when(wid == NW - 1)
    def _():
        tbase = CHUNK * NW
        pltpu.sync_copy(z_hbm.at[pl.ds(tbase, TAIL)], z_v.at[pl.ds(0, TAIL)])

        def tbody(i, _):
            _gather_group(z_v, s_v, t_v, scale_v, shift_v, i * (G * L), G)
            return _

        lax.fori_loop(0, TAIL // (G * L), tbody, None)
        for j in range(TAIL // (G * L) * G, TAIL // L):
            _gather_group(z_v, s_v, t_v, scale_v, shift_v, j * L, 1)
        pltpu.sync_copy(s_v.at[pl.ds(0, TAIL)], s_hbm.at[pl.ds(tbase, TAIL)])
        pltpu.sync_copy(t_v.at[pl.ds(0, TAIL)], t_hbm.at[pl.ds(tbase, TAIL)])


@jax.jit
def kernel(inputs, z, scale_table, shift_table):
    zi = z.astype(jnp.int32)
    scale = scale_table.reshape(TBL)
    shift = shift_table.reshape(TBL)

    mesh = plsc.VectorSubcoreMesh(core_axis_name="c", subcore_axis_name="s",
                                  num_cores=NC, num_subcores=NS)
    s, t = pl.kernel(
        _gather_body,
        out_type=(jax.ShapeDtypeStruct((N,), jnp.float32),
                  jax.ShapeDtypeStruct((N,), jnp.float32)),
        mesh=mesh,
        compiler_params=pltpu.CompilerParams(needs_layout_passes=False),
        scratch_types=[
            pltpu.VMEM((CHUNK,), jnp.int32),
            pltpu.VMEM((CHUNK,), jnp.float32),
            pltpu.VMEM((CHUNK,), jnp.float32),
            pltpu.VMEM((TBL,), jnp.float32),
            pltpu.VMEM((TBL,), jnp.float32),
        ],
    )(zi, scale, shift)
    return inputs * s[:, None] + t[:, None]

# --- scband reference (transcript-rebuilt; emitter-appended) ---
"""Pipeline reference for scband-scale-shift-29592324669715 (READ-ONLY COPY).

The authoritative reference and input builder live on the scoring server;
editing this copy changes nothing except your own understanding.
"""

import jax, jax.numpy as jnp
import numpy as np

N = 1000000
Z_MAX = 17

def setup_inputs(seed: int = 0) -> dict:
    key = jax.random.key(seed)
    k1, k2 = jax.random.split(key)
    z_init = jnp.array([1, 6, 7, 8, 9, 16, 17], dtype=jnp.int64)
    shift_vals = jnp.array([-0.5, -37.8, -54.6, -75.1, -99.7, -398.1, -460.1], dtype=jnp.float32)
    scale_vals = jnp.array([0.9, 1.1, 1.05, 0.95, 1.2, 0.8, 1.0], dtype=jnp.float32)
    # Densify per-element shift/scale into embedding tables of shape [z_max+1, 1],
    # mirroring torch: shift_dense[z] = shift; nn.Embedding.from_pretrained(shift_dense.reshape(-1, 1))
    shift_table = jnp.zeros((Z_MAX + 1, 1), dtype=jnp.float32).at[z_init, 0].set(shift_vals)
    scale_table = jnp.zeros((Z_MAX + 1, 1), dtype=jnp.float32).at[z_init, 0].set(scale_vals)
    inputs = jax.random.normal(k1, (N, 1), dtype=jnp.float32)
    z = jax.random.randint(k2, (N,), 0, Z_MAX + 1)
    return {"inputs": inputs, "z": z, "scale_table": scale_table, "shift_table": shift_table}

def reference(inputs, z, scale_table, shift_table):
    # scale(z): embedding lookup -> [N, 1]; shift(z): embedding lookup -> [N, 1]
    outputs = inputs * jnp.take(scale_table, z, axis=0)
    outputs = outputs + jnp.take(shift_table, z, axis=0)
    return outputs

if __name__ == "__main__":
    import jax
    _d = setup_inputs()
    print(jax.jit(kernel)(*tuple(_d.values())))

</pallas_src>

<mosaic_0001>
#map = affine_map<(d0, d1) -> (0)>
module attributes {stable_mosaic.version = 14 : i64} {
  func.func @_gather_body(%arg0: i32, %arg1: i32, %arg2: memref<1000000xi32, #tpu.memory_space<hbm>>, %arg3: memref<18xf32, #tpu.memory_space<hbm>>, %arg4: memref<18xf32, #tpu.memory_space<hbm>>, %arg5: memref<1000000xf32, #tpu.memory_space<hbm>>, %arg6: memref<1000000xf32, #tpu.memory_space<hbm>>, %arg7: memref<31232xi32, #tpu.memory_space<vmem>>, %arg8: memref<31232xf32, #tpu.memory_space<vmem>>, %arg9: memref<31232xf32, #tpu.memory_space<vmem>>, %arg10: memref<18xf32, #tpu.memory_space<vmem>>, %arg11: memref<18xf32, #tpu.memory_space<vmem>>) attributes {dimension_semantics = [#tpu.dimension_semantics<core_parallel>, #tpu.dimension_semantics<subcore_parallel>], iteration_bounds = array<i64: 2, 16>, scalar_prefetch = 0 : i64, scratch_operands = 5 : i64, tpu.core_type = #tpu.core_type<sc_vector_subcore>, window_params = [{transform_indices = #map}, {transform_indices = #map}, {transform_indices = #map}, {transform_indices = #map}, {transform_indices = #map}]} {
    %mul3A = arith.constant 2 : i32
    %mul3A_0 = arith.muli %arg1, %mul3A : i32
    %add3A = arith.addi %mul3A_0, %arg0 : i32
    %mul3A_1 = arith.constant 31232 : i32
    %mul3A_2 = arith.muli %add3A, %mul3A_1 : i32
    "tpu.region"() ({
      %run_scoped3A = tpu.sem_alloc : memref<!tpu.dma_semaphore, #tpu.memory_space<semaphore_mem>>
      tpu.enqueue_dma source(%arg3 : memref<18xf32, #tpu.memory_space<hbm>>) target(%arg10 : memref<18xf32, #tpu.memory_space<vmem>>) target_semaphore(%run_scoped3A : memref<!tpu.dma_semaphore, #tpu.memory_space<semaphore_mem>>)
      tpu.wait_dma2 semaphore(%run_scoped3A : memref<!tpu.dma_semaphore, #tpu.memory_space<semaphore_mem>>) src(%arg3 : memref<18xf32, #tpu.memory_space<hbm>>) dst(%arg10 : memref<18xf32, #tpu.memory_space<vmem>>)
      tpu.yield
    }) : () -> ()
    "tpu.region"() ({
      %run_scoped3A = tpu.sem_alloc : memref<!tpu.dma_semaphore, #tpu.memory_space<semaphore_mem>>
      tpu.enqueue_dma source(%arg4 : memref<18xf32, #tpu.memory_space<hbm>>) target(%arg11 : memref<18xf32, #tpu.memory_space<vmem>>) target_semaphore(%run_scoped3A : memref<!tpu.dma_semaphore, #tpu.memory_space<semaphore_mem>>)
      tpu.wait_dma2 semaphore(%run_scoped3A : memref<!tpu.dma_semaphore, #tpu.memory_space<semaphore_mem>>) src(%arg4 : memref<18xf32, #tpu.memory_space<hbm>>) dst(%arg11 : memref<18xf32, #tpu.memory_space<vmem>>)
      tpu.yield
    }) : () -> ()
    "tpu.region"() ({
      %run_scoped3A = tpu.sem_alloc : memref<!tpu.dma_semaphore, #tpu.memory_space<semaphore_mem>>
      %dma_start3A = tpu.memref_slice %arg2[%mul3A_2] : memref<1000000xi32, #tpu.memory_space<hbm>> -> memref<31232xi32, #tpu.memory_space<hbm>>
      %dma_start3A_9 = tpu.memref_slice %arg2[%mul3A_2] : memref<1000000xi32, #tpu.memory_space<hbm>> -> memref<31232xi32, #tpu.memory_space<hbm>>
      tpu.enqueue_dma source(%dma_start3A_9 : memref<31232xi32, #tpu.memory_space<hbm>>) target(%arg7 : memref<31232xi32, #tpu.memory_space<vmem>>) target_semaphore(%run_scoped3A : memref<!tpu.dma_semaphore, #tpu.memory_space<semaphore_mem>>)
      %dma_wait3A = tpu.memref_slice %arg2[%mul3A_2] : memref<1000000xi32, #tpu.memory_space<hbm>> -> memref<31232xi32, #tpu.memory_space<hbm>>
      %dma_wait3A_10 = tpu.memref_slice %arg2[%mul3A_2] : memref<1000000xi32, #tpu.memory_space<hbm>> -> memref<31232xi32, #tpu.memory_space<hbm>>
      tpu.wait_dma2 semaphore(%run_scoped3A : memref<!tpu.dma_semaphore, #tpu.memory_space<semaphore_mem>>) src(%dma_wait3A_10 : memref<31232xi32, #tpu.memory_space<hbm>>) dst(%arg7 : memref<31232xi32, #tpu.memory_space<vmem>>)
      tpu.yield
    }) : () -> ()
    %scan3A = arith.constant 0 : i32
    %scan3A_3 = arith.constant 244 : i32
    %scan3A_4 = arith.addi %scan3A, %scan3A_3 : i32
    %scan3A_5 = arith.constant 1 : i32
    scf.for %scan3A_9 = %scan3A to %scan3A_4 step %scan3A_5  : i32 {
      %mul3A_10 = arith.constant 128 : i32
      %mul3A_11 = arith.muli %scan3A_9, %mul3A_10 : i32
      %add3A_12 = arith.constant 0 : i32
      %add3A_13 = arith.addi %mul3A_11, %add3A_12 : i32
      %get3A = arith.index_cast %add3A_13 : i32 to index
      %get3A_14 = tpu.vector_load %arg7[%get3A] {strides = array<i32>} : memref<31232xi32, #tpu.memory_space<vmem>>, vector<16xi32>,
      %add3A_15 = arith.constant 16 : i32
      %add3A_16 = arith.addi %mul3A_11, %add3A_15 : i32
      %get3A_17 = arith.index_cast %add3A_16 : i32 to index
      %get3A_18 = tpu.vector_load %arg7[%get3A_17] {strides = array<i32>} : memref<31232xi32, #tpu.memory_space<vmem>>, vector<16xi32>,
      %add3A_19 = arith.constant 32 : i32
      %add3A_20 = arith.addi %mul3A_11, %add3A_19 : i32
      %get3A_21 = arith.index_cast %add3A_20 : i32 to index
      %get3A_22 = tpu.vector_load %arg7[%get3A_21] {strides = array<i32>} : memref<31232xi32, #tpu.memory_space<vmem>>, vector<16xi32>,
      %add3A_23 = arith.constant 48 : i32
      %add3A_24 = arith.addi %mul3A_11, %add3A_23 : i32
      %get3A_25 = arith.index_cast %add3A_24 : i32 to index
      %get3A_26 = tpu.vector_load %arg7[%get3A_25] {strides = array<i32>} : memref<31232xi32, #tpu.memory_space<vmem>>, vector<16xi32>,
      %add3A_27 = arith.constant 64 : i32
      %add3A_28 = arith.addi %mul3A_11, %add3A_27 : i32
      %get3A_29 = arith.index_cast %add3A_28 : i32 to index
      %get3A_30 = tpu.vector_load %arg7[%get3A_29] {strides = array<i32>} : memref<31232xi32, #tpu.memory_space<vmem>>, vector<16xi32>,
      %add3A_31 = arith.constant 80 : i32
      %add3A_32 = arith.addi %mul3A_11, %add3A_31 : i32
      %get3A_33 = arith.index_cast %add3A_32 : i32 to index
      %get3A_34 = tpu.vector_load %arg7[%get3A_33] {strides = array<i32>} : memref<31232xi32, #tpu.memory_space<vmem>>, vector<16xi32>,
      %add3A_35 = arith.constant 96 : i32
      %add3A_36 = arith.addi %mul3A_11, %add3A_35 : i32
      %get3A_37 = arith.index_cast %add3A_36 : i32 to index
      %get3A_38 = tpu.vector_load %arg7[%get3A_37] {strides = array<i32>} : memref<31232xi32, #tpu.memory_space<vmem>>, vector<16xi32>,
      %add3A_39 = arith.constant 112 : i32
      %add3A_40 = arith.addi %mul3A_11, %add3A_39 : i32
      %get3A_41 = arith.index_cast %add3A_40 : i32 to index
      %get3A_42 = tpu.vector_load %arg7[%get3A_41] {strides = array<i32>} : memref<31232xi32, #tpu.memory_space<vmem>>, vector<16xi32>,
      %gather3A = tpu.vector_load_idx %arg10[%get3A_14] : memref<18xf32, #tpu.memory_space<vmem>>[vector<16xi32>], vector<16xf32>,
      %gather3A_43 = tpu.vector_load_idx %arg10[%get3A_18] : memref<18xf32, #tpu.memory_space<vmem>>[vector<16xi32>], vector<16xf32>,
      %gather3A_44 = tpu.vector_load_idx %arg10[%get3A_22] : memref<18xf32, #tpu.memory_space<vmem>>[vector<16xi32>], vector<16xf32>,
      %gather3A_45 = tpu.vector_load_idx %arg10[%get3A_26] : memref<18xf32, #tpu.memory_space<vmem>>[vector<16xi32>], vector<16xf32>,
      %gather3A_46 = tpu.vector_load_idx %arg10[%get3A_30] : memref<18xf32, #tpu.memory_space<vmem>>[vector<16xi32>], vector<16xf32>,
      %gather3A_47 = tpu.vector_load_idx %arg10[%get3A_34] : memref<18xf32, #tpu.memory_space<vmem>>[vector<16xi32>], vector<16xf32>,
      %gather3A_48 = tpu.vector_load_idx %arg10[%get3A_38] : memref<18xf32, #tpu.memory_space<vmem>>[vector<16xi32>], vector<16xf32>,
      %gather3A_49 = tpu.vector_load_idx %arg10[%get3A_42] : memref<18xf32, #tpu.memory_space<vmem>>[vector<16xi32>], vector<16xf32>,
      %gather3A_50 = tpu.vector_load_idx %arg11[%get3A_14] : memref<18xf32, #tpu.memory_space<vmem>>[vector<16xi32>], vector<16xf32>,
      %gather3A_51 = tpu.vector_load_idx %arg11[%get3A_18] : memref<18xf32, #tpu.memory_space<vmem>>[vector<16xi32>], vector<16xf32>,
      %gather3A_52 = tpu.vector_load_idx %arg11[%get3A_22] : memref<18xf32, #tpu.memory_space<vmem>>[vector<16xi32>], vector<16xf32>,
      %gather3A_53 = tpu.vector_load_idx %arg11[%get3A_26] : memref<18xf32, #tpu.memory_space<vmem>>[vector<16xi32>], vector<16xf32>,
      %gather3A_54 = tpu.vector_load_idx %arg11[%get3A_30] : memref<18xf32, #tpu.memory_space<vmem>>[vector<16xi32>], vector<16xf32>,
      %gather3A_55 = tpu.vector_load_idx %arg11[%get3A_34] : memref<18xf32, #tpu.memory_space<vmem>>[vector<16xi32>], vector<16xf32>,
      %gather3A_56 = tpu.vector_load_idx %arg11[%get3A_38] : memref<18xf32, #tpu.memory_space<vmem>>[vector<16xi32>], vector<16xf32>,
      %gather3A_57 = tpu.vector_load_idx %arg11[%get3A_42] : memref<18xf32, #tpu.memory_space<vmem>>[vector<16xi32>], vector<16xf32>,
      %add3A_58 = arith.constant 0 : i32
      %add3A_59 = arith.addi %mul3A_11, %add3A_58 : i32
      %swap3A = arith.index_cast %add3A_59 : i32 to index
      %swap3A_60 = tpu.vector_load %arg8[%swap3A] {strides = array<i32>} : memref<31232xf32, #tpu.memory_space<vmem>>, vector<16xf32>,
      tpu.vector_store %arg8[%swap3A], %gather3A {strides = array<i32>} : memref<31232xf32, #tpu.memory_space<vmem>>, vector<16xf32>,
      %add3A_61 = arith.constant 0 : i32
      %add3A_62 = arith.addi %mul3A_11, %add3A_61 : i32
      %swap3A_63 = arith.index_cast %add3A_62 : i32 to index
      %swap3A_64 = tpu.vector_load %arg9[%swap3A_63] {strides = array<i32>} : memref<31232xf32, #tpu.memory_space<vmem>>, vector<16xf32>,
      tpu.vector_store %arg9[%swap3A_63], %gather3A_50 {strides = array<i32>} : memref<31232xf32, #tpu.memory_space<vmem>>, vector<16xf32>,
      %add3A_65 = arith.constant 16 : i32
      %add3A_66 = arith.addi %mul3A_11, %add3A_65 : i32
      %swap3A_67 = arith.index_cast %add3A_66 : i32 to index
      %swap3A_68 = tpu.vector_load %arg8[%swap3A_67] {strides = array<i32>} : memref<31232xf32, #tpu.memory_space<vmem>>, vector<16xf32>,
      tpu.vector_store %arg8[%swap3A_67], %gather3A_43 {strides = array<i32>} : memref<31232xf32, #tpu.memory_space<vmem>>, vector<16xf32>,
      %add3A_69 = arith.constant 16 : i32
      %add3A_70 = arith.addi %mul3A_11, %add3A_69 : i32
      %swap3A_71 = arith.index_cast %add3A_70 : i32 to index
      %swap3A_72 = tpu.vector_load %arg9[%swap3A_71] {strides = array<i32>} : memref<31232xf32, #tpu.memory_space<vmem>>, vector<16xf32>,
      tpu.vector_store %arg9[%swap3A_71], %gather3A_51 {strides = array<i32>} : memref<31232xf32, #tpu.memory_space<vmem>>, vector<16xf32>,
      %add3A_73 = arith.constant 32 : i32
      %add3A_74 = arith.addi %mul3A_11, %add3A_73 : i32
      %swap3A_75 = arith.index_cast %add3A_74 : i32 to index
      %swap3A_76 = tpu.vector_load %arg8[%swap3A_75] {strides = array<i32>} : memref<31232xf32, #tpu.memory_space<vmem>>, vector<16xf32>,
      tpu.vector_store %arg8[%swap3A_75], %gather3A_44 {strides = array<i32>} : memref<31232xf32, #tpu.memory_space<vmem>>, vector<16xf32>,
      %add3A_77 = arith.constant 32 : i32
      %add3A_78 = arith.addi %mul3A_11, %add3A_77 : i32
      %swap3A_79 = arith.index_cast %add3A_78 : i32 to index
      %swap3A_80 = tpu.vector_load %arg9[%swap3A_79] {strides = array<i32>} : memref<31232xf32, #tpu.memory_space<vmem>>, vector<16xf32>,
      tpu.vector_store %arg9[%swap3A_79], %gather3A_52 {strides = array<i32>} : memref<31232xf32, #tpu.memory_space<vmem>>, vector<16xf32>,
      %add3A_81 = arith.constant 48 : i32
      %add3A_82 = arith.addi %mul3A_11, %add3A_81 : i32
      %swap3A_83 = arith.index_cast %add3A_82 : i32 to index
      %swap3A_84 = tpu.vector_load %arg8[%swap3A_83] {strides = array<i32>} : memref<31232xf32, #tpu.memory_space<vmem>>, vector<16xf32>,
      tpu.vector_store %arg8[%swap3A_83], %gather3A_45 {strides = array<i32>} : memref<31232xf32, #tpu.memory_space<vmem>>, vector<16xf32>,
      %add3A_85 = arith.constant 48 : i32
      %add3A_86 = arith.addi %mul3A_11, %add3A_85 : i32
      %swap3A_87 = arith.index_cast %add3A_86 : i32 to index
      %swap3A_88 = tpu.vector_load %arg9[%swap3A_87] {strides = array<i32>} : memref<31232xf32, #tpu.memory_space<vmem>>, vector<16xf32>,
      tpu.vector_store %arg9[%swap3A_87], %gather3A_53 {strides = array<i32>} : memref<31232xf32, #tpu.memory_space<vmem>>, vector<16xf32>,
      %add3A_89 = arith.constant 64 : i32
      %add3A_90 = arith.addi %mul3A_11, %add3A_89 : i32
      %swap3A_91 = arith.index_cast %add3A_90 : i32 to index
      %swap3A_92 = tpu.vector_load %arg8[%swap3A_91] {strides = array<i32>} : memref<31232xf32, #tpu.memory_space<vmem>>, vector<16xf32>,
      tpu.vector_store %arg8[%swap3A_91], %gather3A_46 {strides = array<i32>} : memref<31232xf32, #tpu.memory_space<vmem>>, vector<16xf32>,
      %add3A_93 = arith.constant 64 : i32
      %add3A_94 = arith.addi %mul3A_11, %add3A_93 : i32
      %swap3A_95 = arith.index_cast %add3A_94 : i32 to index
      %swap3A_96 = tpu.vector_load %arg9[%swap3A_95] {strides = array<i32>} : memref<31232xf32, #tpu.memory_space<vmem>>, vector<16xf32>,
      tpu.vector_store %arg9[%swap3A_95], %gather3A_54 {strides = array<i32>} : memref<31232xf32, #tpu.memory_space<vmem>>, vector<16xf32>,
      %add3A_97 = arith.constant 80 : i32
      %add3A_98 = arith.addi %mul3A_11, %add3A_97 : i32
      %swap3A_99 = arith.index_cast %add3A_98 : i32 to index
      %swap3A_100 = tpu.vector_load %arg8[%swap3A_99] {strides = array<i32>} : memref<31232xf32, #tpu.memory_space<vmem>>, vector<16xf32>,
      tpu.vector_store %arg8[%swap3A_99], %gather3A_47 {strides = array<i32>} : memref<31232xf32, #tpu.memory_space<vmem>>, vector<16xf32>,
      %add3A_101 = arith.constant 80 : i32
      %add3A_102 = arith.addi %mul3A_11, %add3A_101 : i32
      %swap3A_103 = arith.index_cast %add3A_102 : i32 to index
      %swap3A_104 = tpu.vector_load %arg9[%swap3A_103] {strides = array<i32>} : memref<31232xf32, #tpu.memory_space<vmem>>, vector<16xf32>,
      tpu.vector_store %arg9[%swap3A_103], %gather3A_55 {strides = array<i32>} : memref<31232xf32, #tpu.memory_space<vmem>>, vector<16xf32>,
      %add3A_105 = arith.constant 96 : i32
      %add3A_106 = arith.addi %mul3A_11, %add3A_105 : i32
      %swap3A_107 = arith.index_cast %add3A_106 : i32 to index
      %swap3A_108 = tpu.vector_load %arg8[%swap3A_107] {strides = array<i32>} : memref<31232xf32, #tpu.memory_space<vmem>>, vector<16xf32>,
      tpu.vector_store %arg8[%swap3A_107], %gather3A_48 {strides = array<i32>} : memref<31232xf32, #tpu.memory_space<vmem>>, vector<16xf32>,
      %add3A_109 = arith.constant 96 : i32
      %add3A_110 = arith.addi %mul3A_11, %add3A_109 : i32
      %swap3A_111 = arith.index_cast %add3A_110 : i32 to index
      %swap3A_112 = tpu.vector_load %arg9[%swap3A_111] {strides = array<i32>} : memref<31232xf32, #tpu.memory_space<vmem>>, vector<16xf32>,
      tpu.vector_store %arg9[%swap3A_111], %gather3A_56 {strides = array<i32>} : memref<31232xf32, #tpu.memory_space<vmem>>, vector<16xf32>,
      %add3A_113 = arith.constant 112 : i32
      %add3A_114 = arith.addi %mul3A_11, %add3A_113 : i32
      %swap3A_115 = arith.index_cast %add3A_114 : i32 to index
      %swap3A_116 = tpu.vector_load %arg8[%swap3A_115] {strides = array<i32>} : memref<31232xf32, #tpu.memory_space<vmem>>, vector<16xf32>,
      tpu.vector_store %arg8[%swap3A_115], %gather3A_49 {strides = array<i32>} : memref<31232xf32, #tpu.memory_space<vmem>>, vector<16xf32>,
      %add3A_117 = arith.constant 112 : i32
      %add3A_118 = arith.addi %mul3A_11, %add3A_117 : i32
      %swap3A_119 = arith.index_cast %add3A_118 : i32 to index
      %swap3A_120 = tpu.vector_load %arg9[%swap3A_119] {strides = array<i32>} : memref<31232xf32, #tpu.memory_space<vmem>>, vector<16xf32>,
      tpu.vector_store %arg9[%swap3A_119], %gather3A_57 {strides = array<i32>} : memref<31232xf32, #tpu.memory_space<vmem>>, vector<16xf32>,
    }
    %scan3A_6 = arith.constant 244 : i32
    "tpu.region"() ({
      %run_scoped3A = tpu.sem_alloc : memref<!tpu.dma_semaphore, #tpu.memory_space<semaphore_mem>>
      %dma_start3A = tpu.memref_slice %arg5[%mul3A_2] : memref<1000000xf32, #tpu.memory_space<hbm>> -> memref<31232xf32, #tpu.memory_space<hbm>>
      %dma_start3A_9 = tpu.memref_slice %arg5[%mul3A_2] : memref<1000000xf32, #tpu.memory_space<hbm>> -> memref<31232xf32, #tpu.memory_space<hbm>>
      tpu.enqueue_dma source(%arg8 : memref<31232xf32, #tpu.memory_space<vmem>>) target(%dma_start3A_9 : memref<31232xf32, #tpu.memory_space<hbm>>) target_semaphore(%run_scoped3A : memref<!tpu.dma_semaphore, #tpu.memory_space<semaphore_mem>>)
      %dma_wait3A = tpu.memref_slice %arg5[%mul3A_2] : memref<1000000xf32, #tpu.memory_space<hbm>> -> memref<31232xf32, #tpu.memory_space<hbm>>
      %dma_wait3A_10 = tpu.memref_slice %arg5[%mul3A_2] : memref<1000000xf32, #tpu.memory_space<hbm>> -> memref<31232xf32, #tpu.memory_space<hbm>>
      tpu.wait_dma2 semaphore(%run_scoped3A : memref<!tpu.dma_semaphore, #tpu.memory_space<semaphore_mem>>) src(%arg8 : memref<31232xf32, #tpu.memory_space<vmem>>) dst(%dma_wait3A_10 : memref<31232xf32, #tpu.memory_space<hbm>>)
      tpu.yield
    }) : () -> ()
    "tpu.region"() ({
      %run_scoped3A = tpu.sem_alloc : memref<!tpu.dma_semaphore, #tpu.memory_space<semaphore_mem>>
      %dma_start3A = tpu.memref_slice %arg6[%mul3A_2] : memref<1000000xf32, #tpu.memory_space<hbm>> -> memref<31232xf32, #tpu.memory_space<hbm>>
      %dma_start3A_9 = tpu.memref_slice %arg6[%mul3A_2] : memref<1000000xf32, #tpu.memory_space<hbm>> -> memref<31232xf32, #tpu.memory_space<hbm>>
      tpu.enqueue_dma source(%arg9 : memref<31232xf32, #tpu.memory_space<vmem>>) target(%dma_start3A_9 : memref<31232xf32, #tpu.memory_space<hbm>>) target_semaphore(%run_scoped3A : memref<!tpu.dma_semaphore, #tpu.memory_space<semaphore_mem>>)
      %dma_wait3A = tpu.memref_slice %arg6[%mul3A_2] : memref<1000000xf32, #tpu.memory_space<hbm>> -> memref<31232xf32, #tpu.memory_space<hbm>>
      %dma_wait3A_10 = tpu.memref_slice %arg6[%mul3A_2] : memref<1000000xf32, #tpu.memory_space<hbm>> -> memref<31232xf32, #tpu.memory_space<hbm>>
      tpu.wait_dma2 semaphore(%run_scoped3A : memref<!tpu.dma_semaphore, #tpu.memory_space<semaphore_mem>>) src(%arg9 : memref<31232xf32, #tpu.memory_space<vmem>>) dst(%dma_wait3A_10 : memref<31232xf32, #tpu.memory_space<hbm>>)
      tpu.yield
    }) : () -> ()
    %eq3A = arith.constant 31 : i32
    %eq3A_7 = arith.cmpi eq, %add3A, %eq3A : i32
    %convert_element_type3A = arith.extui %eq3A_7 : i1 to i32
    %cond3A = arith.constant 0 : i32
    %cond3A_8 = arith.cmpi ne, %convert_element_type3A, %cond3A : i32
    scf.if %cond3A_8 {
      "tpu.region"() ({
        %run_scoped3A = tpu.sem_alloc : memref<!tpu.dma_semaphore, #tpu.memory_space<semaphore_mem>>
        %dma_start3A = arith.constant 0 : i32
        %dma_start3A_43 = tpu.memref_slice %arg7[%dma_start3A] : memref<31232xi32, #tpu.memory_space<vmem>> -> memref<576xi32, #tpu.memory_space<vmem>>
        %dma_start3A_44 = arith.constant 999424 : i32
        %dma_start3A_45 = tpu.memref_slice %arg2[%dma_start3A_44] : memref<1000000xi32, #tpu.memory_space<hbm>> -> memref<576xi32, #tpu.memory_space<hbm>>
        %dma_start3A_46 = arith.constant 0 : i32
        %dma_start3A_47 = tpu.memref_slice %arg7[%dma_start3A_46] : memref<31232xi32, #tpu.memory_space<vmem>> -> memref<576xi32, #tpu.memory_space<vmem>>
        %dma_start3A_48 = arith.constant 999424 : i32
        %dma_start3A_49 = tpu.memref_slice %arg2[%dma_start3A_48] : memref<1000000xi32, #tpu.memory_space<hbm>> -> memref<576xi32, #tpu.memory_space<hbm>>
        tpu.enqueue_dma source(%dma_start3A_49 : memref<576xi32, #tpu.memory_space<hbm>>) target(%dma_start3A_47 : memref<576xi32, #tpu.memory_space<vmem>>) target_semaphore(%run_scoped3A : memref<!tpu.dma_semaphore, #tpu.memory_space<semaphore_mem>>)
        %dma_wait3A = arith.constant 0 : i32
        %dma_wait3A_50 = tpu.memref_slice %arg7[%dma_wait3A] : memref<31232xi32, #tpu.memory_space<vmem>> -> memref<576xi32, #tpu.memory_space<vmem>>
        %dma_wait3A_51 = arith.constant 999424 : i32
        %dma_wait3A_52 = tpu.memref_slice %arg2[%dma_wait3A_51] : memref<1000000xi32, #tpu.memory_space<hbm>> -> memref<576xi32, #tpu.memory_space<hbm>>
        %dma_wait3A_53 = arith.constant 0 : i32
        %dma_wait3A_54 = tpu.memref_slice %arg7[%dma_wait3A_53] : memref<31232xi32, #tpu.memory_space<vmem>> -> memref<576xi32, #tpu.memory_space<vmem>>
        %dma_wait3A_55 = arith.constant 999424 : i32
        %dma_wait3A_56 = tpu.memref_slice %arg2[%dma_wait3A_55] : memref<1000000xi32, #tpu.memory_space<hbm>> -> memref<576xi32, #tpu.memory_space<hbm>>
        tpu.wait_dma2 semaphore(%run_scoped3A : memref<!tpu.dma_semaphore, #tpu.memory_space<semaphore_mem>>) src(%dma_wait3A_56 : memref<576xi32, #tpu.memory_space<hbm>>) dst(%dma_wait3A_54 : memref<576xi32, #tpu.memory_space<vmem>>)
        tpu.yield
      }) : () -> ()
      %scan3A_9 = arith.constant 0 : i32
      %scan3A_10 = arith.constant 4 : i32
      %scan3A_11 = arith.addi %scan3A_9, %scan3A_10 : i32
      %scan3A_12 = arith.constant 1 : i32
      scf.for %scan3A_43 = %scan3A_9 to %scan3A_11 step %scan3A_12  : i32 {
        %mul3A_44 = arith.constant 128 : i32
        %mul3A_45 = arith.muli %scan3A_43, %mul3A_44 : i32
        %add3A_46 = arith.constant 0 : i32
        %add3A_47 = arith.addi %mul3A_45, %add3A_46 : i32
        %get3A_48 = arith.index_cast %add3A_47 : i32 to index
        %get3A_49 = tpu.vector_load %arg7[%get3A_48] {strides = array<i32>} : memref<31232xi32, #tpu.memory_space<vmem>>, vector<16xi32>,
        %add3A_50 = arith.constant 16 : i32
        %add3A_51 = arith.addi %mul3A_45, %add3A_50 : i32
        %get3A_52 = arith.index_cast %add3A_51 : i32 to index
        %get3A_53 = tpu.vector_load %arg7[%get3A_52] {strides = array<i32>} : memref<31232xi32, #tpu.memory_space<vmem>>, vector<16xi32>,
        %add3A_54 = arith.constant 32 : i32
        %add3A_55 = arith.addi %mul3A_45, %add3A_54 : i32
        %get3A_56 = arith.index_cast %add3A_55 : i32 to index
        %get3A_57 = tpu.vector_load %arg7[%get3A_56] {strides = array<i32>} : memref<31232xi32, #tpu.memory_space<vmem>>, vector<16xi32>,
        %add3A_58 = arith.constant 48 : i32
        %add3A_59 = arith.addi %mul3A_45, %add3A_58 : i32
        %get3A_60 = arith.index_cast %add3A_59 : i32 to index
        %get3A_61 = tpu.vector_load %arg7[%get3A_60] {strides = array<i32>} : memref<31232xi32, #tpu.memory_space<vmem>>, vector<16xi32>,
        %add3A_62 = arith.constant 64 : i32
        %add3A_63 = arith.addi %mul3A_45, %add3A_62 : i32
        %get3A_64 = arith.index_cast %add3A_63 : i32 to index
        %get3A_65 = tpu.vector_load %arg7[%get3A_64] {strides = array<i32>} : memref<31232xi32, #tpu.memory_space<vmem>>, vector<16xi32>,
        %add3A_66 = arith.constant 80 : i32
        %add3A_67 = arith.addi %mul3A_45, %add3A_66 : i32
        %get3A_68 = arith.index_cast %add3A_67 : i32 to index
        %get3A_69 = tpu.vector_load %arg7[%get3A_68] {strides = array<i32>} : memref<31232xi32, #tpu.memory_space<vmem>>, vector<16xi32>,
        %add3A_70 = arith.constant 96 : i32
        %add3A_71 = arith.addi %mul3A_45, %add3A_70 : i32
        %get3A_72 = arith.index_cast %add3A_71 : i32 to index
        %get3A_73 = tpu.vector_load %arg7[%get3A_72] {strides = array<i32>} : memref<31232xi32, #tpu.memory_space<vmem>>, vector<16xi32>,
        %add3A_74 = arith.constant 112 : i32
        %add3A_75 = arith.addi %mul3A_45, %add3A_74 : i32
        %get3A_76 = arith.index_cast %add3A_75 : i32 to index
        %get3A_77 = tpu.vector_load %arg7[%get3A_76] {strides = array<i32>} : memref<31232xi32, #tpu.memory_space<vmem>>, vector<16xi32>,
        %gather3A_78 = tpu.vector_load_idx %arg10[%get3A_49] : memref<18xf32, #tpu.memory_space<vmem>>[vector<16xi32>], vector<16xf32>,
        %gather3A_79 = tpu.vector_load_idx %arg10[%get3A_53] : memref<18xf32, #tpu.memory_space<vmem>>[vector<16xi32>], vector<16xf32>,
        %gather3A_80 = tpu.vector_load_idx %arg10[%get3A_57] : memref<18xf32, #tpu.memory_space<vmem>>[vector<16xi32>], vector<16xf32>,
        %gather3A_81 = tpu.vector_load_idx %arg10[%get3A_61] : memref<18xf32, #tpu.memory_space<vmem>>[vector<16xi32>], vector<16xf32>,
        %gather3A_82 = tpu.vector_load_idx %arg10[%get3A_65] : memref<18xf32, #tpu.memory_space<vmem>>[vector<16xi32>], vector<16xf32>,
        %gather3A_83 = tpu.vector_load_idx %arg10[%get3A_69] : memref<18xf32, #tpu.memory_space<vmem>>[vector<16xi32>], vector<16xf32>,
        %gather3A_84 = tpu.vector_load_idx %arg10[%get3A_73] : memref<18xf32, #tpu.memory_space<vmem>>[vector<16xi32>], vector<16xf32>,
        %gather3A_85 = tpu.vector_load_idx %arg10[%get3A_77] : memref<18xf32, #tpu.memory_space<vmem>>[vector<16xi32>], vector<16xf32>,
        %gather3A_86 = tpu.vector_load_idx %arg11[%get3A_49] : memref<18xf32, #tpu.memory_space<vmem>>[vector<16xi32>], vector<16xf32>,
        %gather3A_87 = tpu.vector_load_idx %arg11[%get3A_53] : memref<18xf32, #tpu.memory_space<vmem>>[vector<16xi32>], vector<16xf32>,
        %gather3A_88 = tpu.vector_load_idx %arg11[%get3A_57] : memref<18xf32, #tpu.memory_space<vmem>>[vector<16xi32>], vector<16xf32>,
        %gather3A_89 = tpu.vector_load_idx %arg11[%get3A_61] : memref<18xf32, #tpu.memory_space<vmem>>[vector<16xi32>], vector<16xf32>,
        %gather3A_90 = tpu.vector_load_idx %arg11[%get3A_65] : memref<18xf32, #tpu.memory_space<vmem>>[vector<16xi32>], vector<16xf32>,
        %gather3A_91 = tpu.vector_load_idx %arg11[%get3A_69] : memref<18xf32, #tpu.memory_space<vmem>>[vector<16xi32>], vector<16xf32>,
        %gather3A_92 = tpu.vector_load_idx %arg11[%get3A_73] : memref<18xf32, #tpu.memory_space<vmem>>[vector<16xi32>], vector<16xf32>,
        %gather3A_93 = tpu.vector_load_idx %arg11[%get3A_77] : memref<18xf32, #tpu.memory_space<vmem>>[vector<16xi32>], vector<16xf32>,
        %add3A_94 = arith.constant 0 : i32
        %add3A_95 = arith.addi %mul3A_45, %add3A_94 : i32
        %swap3A_96 = arith.index_cast %add3A_95 : i32 to index
        %swap3A_97 = tpu.vector_load %arg8[%swap3A_96] {strides = array<i32>} : memref<31232xf32, #tpu.memory_space<vmem>>, vector<16xf32>,
        tpu.vector_store %arg8[%swap3A_96], %gather3A_78 {strides = array<i32>} : memref<31232xf32, #tpu.memory_space<vmem>>, vector<16xf32>,
        %add3A_98 = arith.constant 0 : i32
        %add3A_99 = arith.addi %mul3A_45, %add3A_98 : i32
        %swap3A_100 = arith.index_cast %add3A_99 : i32 to index
        %swap3A_101 = tpu.vector_load %arg9[%swap3A_100] {strides = array<i32>} : memref<31232xf32, #tpu.memory_space<vmem>>, vector<16xf32>,
        tpu.vector_store %arg9[%swap3A_100], %gather3A_86 {strides = array<i32>} : memref<31232xf32, #tpu.memory_space<vmem>>, vector<16xf32>,
        %add3A_102 = arith.constant 16 : i32
        %add3A_103 = arith.addi %mul3A_45, %add3A_102 : i32
        %swap3A_104 = arith.index_cast %add3A_103 : i32 to index
        %swap3A_105 = tpu.vector_load %arg8[%swap3A_104] {strides = array<i32>} : memref<31232xf32, #tpu.memory_space<vmem>>, vector<16xf32>,
        tpu.vector_store %arg8[%swap3A_104], %gather3A_79 {strides = array<i32>} : memref<31232xf32, #tpu.memory_space<vmem>>, vector<16xf32>,
        %add3A_106 = arith.constant 16 : i32
        %add3A_107 = arith.addi %mul3A_45, %add3A_106 : i32
        %swap3A_108 = arith.index_cast %add3A_107 : i32 to index
        %swap3A_109 = tpu.vector_load %arg9[%swap3A_108] {strides = array<i32>} : memref<31232xf32, #tpu.memory_space<vmem>>, vector<16xf32>,
        tpu.vector_store %arg9[%swap3A_108], %gather3A_87 {strides = array<i32>} : memref<31232xf32, #tpu.memory_space<vmem>>, vector<16xf32>,
        %add3A_110 = arith.constant 32 : i32
        %add3A_111 = arith.addi %mul3A_45, %add3A_110 : i32
        %swap3A_112 = arith.index_cast %add3A_111 : i32 to index
        %swap3A_113 = tpu.vector_load %arg8[%swap3A_112] {strides = array<i32>} : memref<31232xf32, #tpu.memory_space<vmem>>, vector<16xf32>,
        tpu.vector_store %arg8[%swap3A_112], %gather3A_80 {strides = array<i32>} : memref<31232xf32, #tpu.memory_space<vmem>>, vector<16xf32>,
        %add3A_114 = arith.constant 32 : i32
        %add3A_115 = arith.addi %mul3A_45, %add3A_114 : i32
        %swap3A_116 = arith.index_cast %add3A_115 : i32 to index
        %swap3A_117 = tpu.vector_load %arg9[%swap3A_116] {strides = array<i32>} : memref<31232xf32, #tpu.memory_space<vmem>>, vector<16xf32>,
        tpu.vector_store %arg9[%swap3A_116], %gather3A_88 {strides = array<i32>} : memref<31232xf32, #tpu.memory_space<vmem>>, vector<16xf32>,
        %add3A_118 = arith.constant 48 : i32
        %add3A_119 = arith.addi %mul3A_45, %add3A_118 : i32
        %swap3A_120 = arith.index_cast %add3A_119 : i32 to index
        %swap3A_121 = tpu.vector_load %arg8[%swap3A_120] {strides = array<i32>} : memref<31232xf32, #tpu.memory_space<vmem>>, vector<16xf32>,
        tpu.vector_store %arg8[%swap3A_120], %gather3A_81 {strides = array<i32>} : memref<31232xf32, #tpu.memory_space<vmem>>, vector<16xf32>,
        %add3A_122 = arith.constant 48 : i32
        %add3A_123 = arith.addi %mul3A_45, %add3A_122 : i32
        %swap3A_124 = arith.index_cast %add3A_123 : i32 to index
        %swap3A_125 = tpu.vector_load %arg9[%swap3A_124] {strides = array<i32>} : memref<31232xf32, #tpu.memory_space<vmem>>, vector<16xf32>,
        tpu.vector_store %arg9[%swap3A_124], %gather3A_89 {strides = array<i32>} : memref<31232xf32, #tpu.memory_space<vmem>>, vector<16xf32>,
        %add3A_126 = arith.constant 64 : i32
        %add3A_127 = arith.addi %mul3A_45, %add3A_126 : i32
        %swap3A_128 = arith.index_cast %add3A_127 : i32 to index
        %swap3A_129 = tpu.vector_load %arg8[%swap3A_128] {strides = array<i32>} : memref<31232xf32, #tpu.memory_space<vmem>>, vector<16xf32>,
        tpu.vector_store %arg8[%swap3A_128], %gather3A_82 {strides = array<i32>} : memref<31232xf32, #tpu.memory_space<vmem>>, vector<16xf32>,
        %add3A_130 = arith.constant 64 : i32
        %add3A_131 = arith.addi %mul3A_45, %add3A_130 : i32
        %swap3A_132 = arith.index_cast %add3A_131 : i32 to index
        %swap3A_133 = tpu.vector_load %arg9[%swap3A_132] {strides = array<i32>} : memref<31232xf32, #tpu.memory_space<vmem>>, vector<16xf32>,
        tpu.vector_store %arg9[%swap3A_132], %gather3A_90 {strides = array<i32>} : memref<31232xf32, #tpu.memory_space<vmem>>, vector<16xf32>,
        %add3A_134 = arith.constant 80 : i32
        %add3A_135 = arith.addi %mul3A_45, %add3A_134 : i32
        %swap3A_136 = arith.index_cast %add3A_135 : i32 to index
        %swap3A_137 = tpu.vector_load %arg8[%swap3A_136] {strides = array<i32>} : memref<31232xf32, #tpu.memory_space<vmem>>, vector<16xf32>,
        tpu.vector_store %arg8[%swap3A_136], %gather3A_83 {strides = array<i32>} : memref<31232xf32, #tpu.memory_space<vmem>>, vector<16xf32>,
        %add3A_138 = arith.constant 80 : i32
        %add3A_139 = arith.addi %mul3A_45, %add3A_138 : i32
        %swap3A_140 = arith.index_cast %add3A_139 : i32 to index
        %swap3A_141 = tpu.vector_load %arg9[%swap3A_140] {strides = array<i32>} : memref<31232xf32, #tpu.memory_space<vmem>>, vector<16xf32>,
        tpu.vector_store %arg9[%swap3A_140], %gather3A_91 {strides = array<i32>} : memref<31232xf32, #tpu.memory_space<vmem>>, vector<16xf32>,
        %add3A_142 = arith.constant 96 : i32
        %add3A_143 = arith.addi %mul3A_45, %add3A_142 : i32
        %swap3A_144 = arith.index_cast %add3A_143 : i32 to index
        %swap3A_145 = tpu.vector_load %arg8[%swap3A_144] {strides = array<i32>} : memref<31232xf32, #tpu.memory_space<vmem>>, vector<16xf32>,
        tpu.vector_store %arg8[%swap3A_144], %gather3A_84 {strides = array<i32>} : memref<31232xf32, #tpu.memory_space<vmem>>, vector<16xf32>,
        %add3A_146 = arith.constant 96 : i32
        %add3A_147 = arith.addi %mul3A_45, %add3A_146 : i32
        %swap3A_148 = arith.index_cast %add3A_147 : i32 to index
        %swap3A_149 = tpu.vector_load %arg9[%swap3A_148] {strides = array<i32>} : memref<31232xf32, #tpu.memory_space<vmem>>, vector<16xf32>,
        tpu.vector_store %arg9[%swap3A_148], %gather3A_92 {strides = array<i32>} : memref<31232xf32, #tpu.memory_space<vmem>>, vector<16xf32>,
        %add3A_150 = arith.constant 112 : i32
        %add3A_151 = arith.addi %mul3A_45, %add3A_150 : i32
        %swap3A_152 = arith.index_cast %add3A_151 : i32 to index
        %swap3A_153 = tpu.vector_load %arg8[%swap3A_152] {strides = array<i32>} : memref<31232xf32, #tpu.memory_space<vmem>>, vector<16xf32>,
        tpu.vector_store %arg8[%swap3A_152], %gather3A_85 {strides = array<i32>} : memref<31232xf32, #tpu.memory_space<vmem>>, vector<16xf32>,
        %add3A_154 = arith.constant 112 : i32
        %add3A_155 = arith.addi %mul3A_45, %add3A_154 : i32
        %swap3A_156 = arith.index_cast %add3A_155 : i32 to index
        %swap3A_157 = tpu.vector_load %arg9[%swap3A_156] {strides = array<i32>} : memref<31232xf32, #tpu.memory_space<vmem>>, vector<16xf32>,
        tpu.vector_store %arg9[%swap3A_156], %gather3A_93 {strides = array<i32>} : memref<31232xf32, #tpu.memory_space<vmem>>, vector<16xf32>,
      }
      %scan3A_13 = arith.constant 4 : i32
      %get3A = arith.constant 512 : index
      %get3A_14 = tpu.vector_load %arg7[%get3A] {strides = array<i32>} : memref<31232xi32, #tpu.memory_space<vmem>>, vector<16xi32>,
      %gather3A = tpu.vector_load_idx %arg10[%get3A_14] : memref<18xf32, #tpu.memory_space<vmem>>[vector<16xi32>], vector<16xf32>,
      %gather3A_15 = tpu.vector_load_idx %arg11[%get3A_14] : memref<18xf32, #tpu.memory_space<vmem>>[vector<16xi32>], vector<16xf32>,
      %swap3A = arith.constant 512 : index
      %swap3A_16 = tpu.vector_load %arg8[%swap3A] {strides = array<i32>} : memref<31232xf32, #tpu.memory_space<vmem>>, vector<16xf32>,
      tpu.vector_store %arg8[%swap3A], %gather3A {strides = array<i32>} : memref<31232xf32, #tpu.memory_space<vmem>>, vector<16xf32>,
      %swap3A_17 = arith.constant 512 : index
      %swap3A_18 = tpu.vector_load %arg9[%swap3A_17] {strides = array<i32>} : memref<31232xf32, #tpu.memory_space<vmem>>, vector<16xf32>,
      tpu.vector_store %arg9[%swap3A_17], %gather3A_15 {strides = array<i32>} : memref<31232xf32, #tpu.memory_space<vmem>>, vector<16xf32>,
      %get3A_19 = arith.constant 528 : index
      %get3A_20 = tpu.vector_load %arg7[%get3A_19] {strides = array<i32>} : memref<31232xi32, #tpu.memory_space<vmem>>, vector<16xi32>,
      %gather3A_21 = tpu.vector_load_idx %arg10[%get3A_20] : memref<18xf32, #tpu.memory_space<vmem>>[vector<16xi32>], vector<16xf32>,
      %gather3A_22 = tpu.vector_load_idx %arg11[%get3A_20] : memref<18xf32, #tpu.memory_space<vmem>>[vector<16xi32>], vector<16xf32>,
      %swap3A_23 = arith.constant 528 : index
      %swap3A_24 = tpu.vector_load %arg8[%swap3A_23] {strides = array<i32>} : memref<31232xf32, #tpu.memory_space<vmem>>, vector<16xf32>,
      tpu.vector_store %arg8[%swap3A_23], %gather3A_21 {strides = array<i32>} : memref<31232xf32, #tpu.memory_space<vmem>>, vector<16xf32>,
      %swap3A_25 = arith.constant 528 : index
      %swap3A_26 = tpu.vector_load %arg9[%swap3A_25] {strides = array<i32>} : memref<31232xf32, #tpu.memory_space<vmem>>, vector<16xf32>,
      tpu.vector_store %arg9[%swap3A_25], %gather3A_22 {strides = array<i32>} : memref<31232xf32, #tpu.memory_space<vmem>>, vector<16xf32>,
      %get3A_27 = arith.constant 544 : index
      %get3A_28 = tpu.vector_load %arg7[%get3A_27] {strides = array<i32>} : memref<31232xi32, #tpu.memory_space<vmem>>, vector<16xi32>,
      %gather3A_29 = tpu.vector_load_idx %arg10[%get3A_28] : memref<18xf32, #tpu.memory_space<vmem>>[vector<16xi32>], vector<16xf32>,
      %gather3A_30 = tpu.vector_load_idx %arg11[%get3A_28] : memref<18xf32, #tpu.memory_space<vmem>>[vector<16xi32>], vector<16xf32>,
      %swap3A_31 = arith.constant 544 : index
      %swap3A_32 = tpu.vector_load %arg8[%swap3A_31] {strides = array<i32>} : memref<31232xf32, #tpu.memory_space<vmem>>, vector<16xf32>,
      tpu.vector_store %arg8[%swap3A_31], %gather3A_29 {strides = array<i32>} : memref<31232xf32, #tpu.memory_space<vmem>>, vector<16xf32>,
      %swap3A_33 = arith.constant 544 : index
      %swap3A_34 = tpu.vector_load %arg9[%swap3A_33] {strides = array<i32>} : memref<31232xf32, #tpu.memory_space<vmem>>, vector<16xf32>,
      tpu.vector_store %arg9[%swap3A_33], %gather3A_30 {strides = array<i32>} : memref<31232xf32, #tpu.memory_space<vmem>>, vector<16xf32>,
      %get3A_35 = arith.constant 560 : index
      %get3A_36 = tpu.vector_load %arg7[%get3A_35] {strides = array<i32>} : memref<31232xi32, #tpu.memory_space<vmem>>, vector<16xi32>,
      %gather3A_37 = tpu.vector_load_idx %arg10[%get3A_36] : memref<18xf32, #tpu.memory_space<vmem>>[vector<16xi32>], vector<16xf32>,
      %gather3A_38 = tpu.vector_load_idx %arg11[%get3A_36] : memref<18xf32, #tpu.memory_space<vmem>>[vector<16xi32>], vector<16xf32>,
      %swap3A_39 = arith.constant 560 : index
      %swap3A_40 = tpu.vector_load %arg8[%swap3A_39] {strides = array<i32>} : memref<31232xf32, #tpu.memory_space<vmem>>, vector<16xf32>,
      tpu.vector_store %arg8[%swap3A_39], %gather3A_37 {strides = array<i32>} : memref<31232xf32, #tpu.memory_space<vmem>>, vector<16xf32>,
      %swap3A_41 = arith.constant 560 : index
      %swap3A_42 = tpu.vector_load %arg9[%swap3A_41] {strides = array<i32>} : memref<31232xf32, #tpu.memory_space<vmem>>, vector<16xf32>,
      tpu.vector_store %arg9[%swap3A_41], %gather3A_38 {strides = array<i32>} : memref<31232xf32, #tpu.memory_space<vmem>>, vector<16xf32>,
      "tpu.region"() ({
        %run_scoped3A = tpu.sem_alloc : memref<!tpu.dma_semaphore, #tpu.memory_space<semaphore_mem>>
        %dma_start3A = arith.constant 0 : i32
        %dma_start3A_43 = tpu.memref_slice %arg8[%dma_start3A] : memref<31232xf32, #tpu.memory_space<vmem>> -> memref<576xf32, #tpu.memory_space<vmem>>
        %dma_start3A_44 = arith.constant 999424 : i32
        %dma_start3A_45 = tpu.memref_slice %arg5[%dma_start3A_44] : memref<1000000xf32, #tpu.memory_space<hbm>> -> memref<576xf32, #tpu.memory_space<hbm>>
        %dma_start3A_46 = arith.constant 999424 : i32
        %dma_start3A_47 = tpu.memref_slice %arg5[%dma_start3A_46] : memref<1000000xf32, #tpu.memory_space<hbm>> -> memref<576xf32, #tpu.memory_space<hbm>>
        %dma_start3A_48 = arith.constant 0 : i32
        %dma_start3A_49 = tpu.memref_slice %arg8[%dma_start3A_48] : memref<31232xf32, #tpu.memory_space<vmem>> -> memref<576xf32, #tpu.memory_space<vmem>>
        tpu.enqueue_dma source(%dma_start3A_49 : memref<576xf32, #tpu.memory_space<vmem>>) target(%dma_start3A_47 : memref<576xf32, #tpu.memory_space<hbm>>) target_semaphore(%run_scoped3A : memref<!tpu.dma_semaphore, #tpu.memory_space<semaphore_mem>>)
        %dma_wait3A = arith.constant 0 : i32
        %dma_wait3A_50 = tpu.memref_slice %arg8[%dma_wait3A] : memref<31232xf32, #tpu.memory_space<vmem>> -> memref<576xf32, #tpu.memory_space<vmem>>
        %dma_wait3A_51 = arith.constant 999424 : i32
        %dma_wait3A_52 = tpu.memref_slice %arg5[%dma_wait3A_51] : memref<1000000xf32, #tpu.memory_space<hbm>> -> memref<576xf32, #tpu.memory_space<hbm>>
        %dma_wait3A_53 = arith.constant 999424 : i32
        %dma_wait3A_54 = tpu.memref_slice %arg5[%dma_wait3A_53] : memref<1000000xf32, #tpu.memory_space<hbm>> -> memref<576xf32, #tpu.memory_space<hbm>>
        %dma_wait3A_55 = arith.constant 0 : i32
        %dma_wait3A_56 = tpu.memref_slice %arg8[%dma_wait3A_55] : memref<31232xf32, #tpu.memory_space<vmem>> -> memref<576xf32, #tpu.memory_space<vmem>>
        tpu.wait_dma2 semaphore(%run_scoped3A : memref<!tpu.dma_semaphore, #tpu.memory_space<semaphore_mem>>) src(%dma_wait3A_56 : memref<576xf32, #tpu.memory_space<vmem>>) dst(%dma_wait3A_54 : memref<576xf32, #tpu.memory_space<hbm>>)
        tpu.yield
      }) : () -> ()
      "tpu.region"() ({
        %run_scoped3A = tpu.sem_alloc : memref<!tpu.dma_semaphore, #tpu.memory_space<semaphore_mem>>
        %dma_start3A = arith.constant 0 : i32
        %dma_start3A_43 = tpu.memref_slice %arg9[%dma_start3A] : memref<31232xf32, #tpu.memory_space<vmem>> -> memref<576xf32, #tpu.memory_space<vmem>>
        %dma_start3A_44 = arith.constant 999424 : i32
        %dma_start3A_45 = tpu.memref_slice %arg6[%dma_start3A_44] : memref<1000000xf32, #tpu.memory_space<hbm>> -> memref<576xf32, #tpu.memory_space<hbm>>
        %dma_start3A_46 = arith.constant 999424 : i32
        %dma_start3A_47 = tpu.memref_slice %arg6[%dma_start3A_46] : memref<1000000xf32, #tpu.memory_space<hbm>> -> memref<576xf32, #tpu.memory_space<hbm>>
        %dma_start3A_48 = arith.constant 0 : i32
        %dma_start3A_49 = tpu.memref_slice %arg9[%dma_start3A_48] : memref<31232xf32, #tpu.memory_space<vmem>> -> memref<576xf32, #tpu.memory_space<vmem>>
        tpu.enqueue_dma source(%dma_start3A_49 : memref<576xf32, #tpu.memory_space<vmem>>) target(%dma_start3A_47 : memref<576xf32, #tpu.memory_space<hbm>>) target_semaphore(%run_scoped3A : memref<!tpu.dma_semaphore, #tpu.memory_space<semaphore_mem>>)
        %dma_wait3A = arith.constant 0 : i32
        %dma_wait3A_50 = tpu.memref_slice %arg9[%dma_wait3A] : memref<31232xf32, #tpu.memory_space<vmem>> -> memref<576xf32, #tpu.memory_space<vmem>>
        %dma_wait3A_51 = arith.constant 999424 : i32
        %dma_wait3A_52 = tpu.memref_slice %arg6[%dma_wait3A_51] : memref<1000000xf32, #tpu.memory_space<hbm>> -> memref<576xf32, #tpu.memory_space<hbm>>
        %dma_wait3A_53 = arith.constant 999424 : i32
        %dma_wait3A_54 = tpu.memref_slice %arg6[%dma_wait3A_53] : memref<1000000xf32, #tpu.memory_space<hbm>> -> memref<576xf32, #tpu.memory_space<hbm>>
        %dma_wait3A_55 = arith.constant 0 : i32
        %dma_wait3A_56 = tpu.memref_slice %arg9[%dma_wait3A_55] : memref<31232xf32, #tpu.memory_space<vmem>> -> memref<576xf32, #tpu.memory_space<vmem>>
        tpu.wait_dma2 semaphore(%run_scoped3A : memref<!tpu.dma_semaphore, #tpu.memory_space<semaphore_mem>>) src(%dma_wait3A_56 : memref<576xf32, #tpu.memory_space<vmem>>) dst(%dma_wait3A_54 : memref<576xf32, #tpu.memory_space<hbm>>)
        tpu.yield
      }) : () -> ()
    } else {
    }
    return
  }
}

</mosaic_0001>

<sc_bundles>
// kernel: kernel.3.cloned.1.call-start
scs
__scs_entry_jumppad:
0x0: {  	(pc) =	sbr.rel $0x88, $3  }
0x1: {  	(tag) =	ssettag $0x0;
	lr =	simm.s32 $0x1  }
0x2: {  	[smem:$0x3F9D] =	sst lr;
	_ =	strace $0xD0000000  }
0x3: {  	_ = 	snop  }
0x4: {  	_ = 	snop  }
0x5: {  	_ = 	snop  }
0x6: {  	_ = 	snop  }
0x7: {  	_ = 	snop  }
__scs_overlays_trampoline_lowered:
0x8: {  	[smem:$0x3FAC] =	sst s0  }
0x9: {  	[smem:$0x3FAD] =	sst s1  }
0xa: {  	[smem:$0x3FAE] =	sst s2  }
0xb: {  	[smem:$0x3FAF] =	sst s3  }
0xc: {  	[smem:$0x3FB0] =	sst s4  }
0xd: {  	[smem:$0x3FB1] =	sst s5  }
0xe: {  	[smem:$0x3FB2] =	sst s6  }
0xf: {  	[smem:$0x3FB3] =	sst s7  }
0x10: {  	[smem:$0x3FB4] =	sst s8  }
0x11: {  	[smem:$0x3FB5] =	sst s9;
	s0 =	simm.s32 @!p0 $0x0  }
0x12: {  	s1 =	sld [smem:$0x3F9B];
	s0 =	simm.s32 @p0 $0x1  }
0x13: {  	[smem:$0x3FB6] =	sst s0;
	s0 =	simm.s32 @!p1 $0x0  }
0x14: {  	s2 =	sld [smem:$0x3F9A];
	s0 =	simm.s32 @p1 $0x1  }
0x15: {  	[smem:$0x3FB7] =	sst s0;
	s0 =	simm.s32 @!p2 $0x0  }
0x16: {  	s3 =	sld [smem:$0x3FDB];
	s0 =	simm.s32 @p2 $0x1  }
0x17: {  	s4 =	simm.s32 $0x1BF5;
	[smem:$0x3FB9] =	sst s0  }
0x18: {  	s0 =	sld [smem:$0x3F9C];
	_ =	swait.ge [sflag:s4], $0x0  }
0x19: {  	s7 =	sld [smem:$0x3F9D]  }
0x1a: {  	s8 =	sadd.s32 $0xFFFFE003, lr  }
0x1b: {  	s9 =	sadd.s32 $0xFFFFFEF7, lr;
	s5 =	simm.s32 $0xFFFFFFFF;
	p2 =	slt.u32 s8, $0xFFFFF086  }
0x1c: {  	p1 =	slt.u32 s9, $0xF7A;
	s5 =	simm.s32 @!p2 $0x0  }
0x1d: {  	s5 =	simm.s32 @p1 $0x1;
	p0 =	seq.s32 s7, s2  }
0x1e: {  	s7 =	smul.u32 @!p0 $0xF7A, s2;
	p2 =	seq.s32 @!p0 s5, $0x0  }
0x1f: {  	s9 =	smul.u32 $0xF7A, s1;
	s8 =	simm.s32 @!p0 $0x1BF5;
	p2 =	por !p2, p0  }
0x20: {  	[sflag:s8] =	ssyncset.s32 @!p0 $0xFFFFF086;
	s6 =	sadd.s32 @!p0 s3, s7;
	s7 =	simm.s32 @!p0 $0x108  }
0x21: {  	s3 =	sadd.s32 s3, s9;
	s6 =	sadd.s32 @!p0 $0x88, s6;
	s7 =	simm.s32 @p2 $0x1082  }
0x22: {  	[simem:s7], [sflag:s8] =	dma.local @!p0 [hbm:s6], $0xF7A  }
0x23: {  	s9 =	sor.u32 $0xD0000000, s2;
	s6 =	simm.s32 $0x108;
	_ =	swait.ge @!p0 [sflag:s8], $0x0  }
0x24: {  	s3 =	sadd.s32 $0x88, s3;
	s6 =	simm.s32 @!p1 $0x1082;
	[sflag:s4] =	ssyncset.s32 $0xFFFFF086  }
0x25: {  	[simem:s6], [sflag:s4] =	dma.local [hbm:s3], $0xF7A  }
0x26: {  	[smem:$0x3F9D] =	sst s1;
	(tag) =	ssettag s2;
	_ =	strace s9  }
0x27: {  	s1 =	sld [smem:$0x3FAD]  }
0x28: {  	s2 =	sld [smem:$0x3FAE]  }
0x29: {  	s4 =	sld [smem:$0x3FB0]  }
0x2a: {  	p0 =	seq.s32 s5, $0x0;
	s5 =	sld [smem:$0x3FB1]  }
0x2b: {  	s6 =	sld [smem:$0x3FB2]  }
0x2c: {  	s7 =	sld [smem:$0x3FB3]  }
0x2d: {  	s3 =	simm.s32 $0x108;
	s8 =	sld [smem:$0x3FB4]  }
0x2e: {  	s3 =	simm.s32 @!p0 $0x1082;
	s9 =	sld [smem:$0x3FB5]  }
0x2f: {  	lr =	sadd.s32 s0, s3;
	s0 =	sld [smem:$0x3FAC]  }
0x30: {  	s3 =	sld [smem:$0x3FAF]  }
0x31: {  	[smem:$0x3FB8] =	sst s10  }
0x32: {  	s10 =	sld [smem:$0x3FB6];
	_ =	sdelay $0x3  }
0x33: {  	p0 =	seq.s32 s10, $0x1;
	s10 =	sld [smem:$0x3FB8];
	_ =	sdelay $0x3  }
0x34: {  	[smem:$0x3FB8] =	sst s10  }
0x35: {  	s10 =	sld [smem:$0x3FB7];
	_ =	sdelay $0x3  }
0x36: {  	p1 =	seq.s32 s10, $0x1;
	s10 =	sld [smem:$0x3FB8];
	_ =	sdelay $0x3  }
0x37: {  	[smem:$0x3FB8] =	sst s10  }
0x38: {  	s10 =	sld [smem:$0x3FB9]  }
0x39: {  	_ = 	snop;
	(pc) =	sbr.ind lr, $3  }
0x3a: {  	_ = 	snop  }
0x3b: {  	_ = 	snop  }
0x3c: {  	p2 =	seq.s32 s10, $0x1;
	s10 =	sld [smem:$0x3FB8]  }
0x3d: {  	_ =	shalt  }
0x3e: {  	_ =	shalt  }
0x3f: {  	_ =	shalt  }
0x40: {  	_ =	shalt  }
0x41: {  	_ =	shalt  }
0x42: {  	_ =	shalt  }
0x43: {  	_ =	shalt  }
0x44: {  	_ =	shalt  }
0x45: {  	_ =	shalt  }
0x46: {  	_ =	shalt  }
0x47: {  	_ =	shalt  }
0x48: {  	_ =	shalt  }
0x49: {  	_ =	shalt  }
0x4a: {  	_ =	shalt  }
0x4b: {  	_ =	shalt  }
0x4c: {  	_ =	shalt  }
0x4d: {  	_ =	shalt  }
0x4e: {  	_ =	shalt  }
0x4f: {  	_ =	shalt  }
0x50: {  	_ =	shalt  }
0x51: {  	_ =	shalt  }
0x52: {  	_ =	shalt  }
0x53: {  	_ =	shalt  }
0x54: {  	_ =	shalt  }
0x55: {  	_ =	shalt  }
0x56: {  	_ =	shalt  }
0x57: {  	_ =	shalt  }
0x58: {  	_ =	shalt  }
0x59: {  	_ =	shalt  }
0x5a: {  	_ =	shalt  }
0x5b: {  	_ =	shalt  }
0x5c: {  	_ =	shalt  }
0x5d: {  	_ =	shalt  }
0x5e: {  	_ =	shalt  }
0x5f: {  	_ =	shalt  }
0x60: {  	_ =	shalt  }
0x61: {  	_ =	shalt  }
0x62: {  	_ =	shalt  }
0x63: {  	_ =	shalt  }
0x64: {  	_ =	shalt  }
0x65: {  	_ =	shalt  }
0x66: {  	_ =	shalt  }
0x67: {  	_ =	shalt  }
0x68: {  	_ =	shalt  }
0x69: {  	_ =	shalt  }
0x6a: {  	_ =	shalt  }
0x6b: {  	_ =	shalt  }
0x6c: {  	_ =	shalt  }
0x6d: {  	_ =	shalt  }
0x6e: {  	_ =	shalt  }
0x6f: {  	_ =	shalt  }
0x70: {  	_ =	shalt  }
0x71: {  	_ =	shalt  }
0x72: {  	_ =	shalt  }
0x73: {  	_ =	shalt  }
0x74: {  	_ =	shalt  }
0x75: {  	_ =	shalt  }
0x76: {  	_ =	shalt  }
0x77: {  	_ =	shalt  }
0x78: {  	_ =	shalt  }
0x79: {  	_ =	shalt  }
0x7a: {  	_ =	shalt  }
0x7b: {  	_ =	shalt  }
0x7c: {  	_ =	shalt  }
0x7d: {  	_ =	shalt  }
0x7e: {  	_ =	shalt  }
0x7f: {  	_ =	shalt  }
0x80: {  	_ =	shalt  }
0x81: {  	_ =	shalt  }
0x82: {  	_ =	shalt  }
0x83: {  	_ =	shalt  }
0x84: {  	_ =	shalt  }
0x85: {  	_ =	shalt  }
0x86: {  	_ =	shalt  }
0x87: {  	_ =	shalt  }
.Lfunc_end0:
.L_simem_size_0:
called_computation_lowered:
.L_overlay_start_0:
0x88: {  	s2 =	sld [smem:$0x3FD9]  }
0x89: {  	s3 =	sld [smem:$0x3FFE];
	_ =	sdelay $0x1  }
0x8a: {  	s1 =	srdreg.scid  }
0x8b: {  	s0 =	sand.u32 $0x1, s1  }
0x8c: {  	s17 =	sshll.u32 s0, $0xA;
	s2 =	sadd.s32 s3, s2  }
0x8d: {  	s2 =	sadd.s32 s2, s17  }
0x8e: {  	[smem:$0x3FC4] =	sst s2  }
0x8f: {  	_ = 	snop  }
0x90: {  	s2 =	sld [smem:$0x3FC8]  }
0x91: {  	s18 =	sld [smem:$0x3FC7]  }
0x92: {  	s4 =	sld [smem:$0x3FC6];
	(tm) =	ssettm $0x1  }
0x93: {  	s5 =	sld [smem:$0x3FFB];
	_ =	sdelay $0x3  }
0x94: {  	_ =	strace s5  }
0x95: {  	s5 =	sld [smem:$0x3FFC];
	_ =	sdelay $0x3  }
0x96: {  	_ =	strace s5  }
0x97: {  	s5 =	sld [smem:$0x3FFD];
	_ =	sdelay $0x3  }
0x98: {  	_ =	strace s5  }
0x99: {  	_ =	strace $0x8FFFFFFF  }
0x9a: {  	s19 =	sld [smem:$0x3FDB];
	_ =	sdelay $0x1  }
0x9b: {  	s6 =	simm.s32 $_scs_section_size  }
0x9c: {  	s7 =	simm.s32 $_size__tile_overlayer_lowered;
	s8 =	simm.s32 $_tile_overlayer_lowered  }
0x9d: {  	s22 =	simm.s32 $0x1BFF;
	s21 =	sshll.u32 s8, $0x1;
	s5 =	sadd.s32 s6, s19  }
0x9e: {  	s9 =	simm.s32 $0x0;
	s20 =	sshll.u32 s7, $0x1;
	s7 =	sadd.s32 s21, s5  }
0x9f: {  	[timem:s9], [sflag:s22] =	dma.local [hbm:s7], s20  }
0xa0: {  	_ =	swait.ge [sflag:s22], s20  }
0xa1: {  	s6 =	ssub.s32 $0x0, s20;
	[sflag:s22] =	ssyncset.done $0x0  }
0xa2: {  	[sflag:s22] =	ssyncadd.s32 s6;
	_ =	sdelay $0x1  }
0xa3: {  	s23 =	simm.s32 $0x1B8B  }
0xa4: {  	_ =	swait.ge [sflag:s23], $0x1  }
0xa5: {  	[sflag:s23] =	ssyncset.done $0x0  }
0xa6: {  	s25 =	simm.s32 $0x1B8E;
	s24 =	sld [smem:$0x3FFE];
	[sflag:s23] =	ssyncadd.s32 $0xFFFFFFFF  }
0xa7: {  	s26 =	simm.s32 $execute0_lowered;
	[smem:$0x3FD2] =	sst s25  }
0xa8: {  	s7 =	sshll.u32 s26, $0x1;
	_ =	strace $0x80000046;
	[dreg:$0x1] =	wrdreg $0xFFFFFFFF  }
0xa9: {  	s28 =	simm.s32 $_size_execute0_lowered;
	s5 =	sadd.s32 s5, s7;
	[dreg:$0x0] =	wrdreg $0x0  }
0xaa: {  	s7 =	sshll.u32 s28, $0x1;
	[dreg:$0x2] =	wrdreg s5  }
0xab: {  	[dreg:$0x3] =	wrdreg s7  }
0xac: {  	[dreg:$0x4] =	wrdreg $0xC0  }
0xad: {  	_ =	task [dreg:s9], $0x5FFFF  }
0xae: {  	[dreg:$0x1] =	wrdreg $0xFFFFFFFF  }
0xaf: {  	[dreg:$0x0] =	wrdreg $0x60  }
0xb0: {  	[dreg:$0x2] =	wrdreg s2  }
0xb1: {  	[dreg:$0x3] =	wrdreg s18  }
0xb2: {  	[dreg:$0x4] =	wrdreg s4  }
0xb3: {  	[dreg:$0x5] =	wrdreg s24  }
0xb4: {  	[dreg:$0x6] =	wrdreg $0x9  }
0xb5: {  	_ =	task.clear_ibuf [dreg:s9], $0x7FFFF;
	_ =	strace $0x90000046  }
0xb6: {  	s29 =	simm.s32 $0x9;
	_ =	strace $0x80000048  }
0xb7: {  	_ =	swait.ge [sflag:s29], $0x1  }
0xb8: {  	[sflag:s29] =	ssyncadd.s32 $0xFFFFFFFF  }
0xb9: {  	_ =	strace $0x90000048  }
0xba: {  	_ =	sfence  }
0xbb: {  	s30 =	sld [smem:$0x0];
	_ =	sdelay $0x2  }
0xbc: {  	s31 =	sshll.u32 s1, $0xD;
	s1 =	sshrl.u32 s1, $0x2  }
0xbd: {  	s3 =	sand.u32 $0x4000, s31;
	s1 =	sadd.s32 s1, s30  }
0xbe: {  	s0 =	sor.u32 s3, s0;
	s1 =	sshll.u32 s1, $0x11  }
0xbf: {  	s0 =	sor.u32 s1, s0  }
0xc0: {  	s0 =	sadd.s32 $0x8F2B, s0  }
0xc1: {  	[sflag:s0] =	ssyncadd.remote.s32 $0x1  }
0xc2: {  	_ =	sfence.sel $0xFFFF  }
0xc3: {  	[dreg:$0x0] =	wrdreg $0xFFFFFFFF;
	(pc) =	sbr.abs _section_cstart, $3  }
0xc4: {  	[dreg:$0x1] =	wrdreg $0xFFFFFFFF  }
0xc5: {  	_ =	task.clear_ibuf [dreg:s9], $0x2FFFF;
	_ =	strace $0x9FFFFFFF  }
0xc6: {  	(tm) =	ssettm $0x7FFFFFFF  }
0xc7: {  	_ =	shalt  }
tec
execute0_lowered:
.L_overlay_start_1:
0x0: {  	(tag) =	ssettag $0x1  }
0x1: {  	s8 =	rddreg [dreg:$0x0]  }
0x2: {  	s1 =	rddreg [dreg:$0x1]  }
0x3: {  	s2 =	srdreg.scid;
	s3 =	rddreg [dreg:$0x2]  }
0x4: {  	s0 =	stileid.u32;
	s10 =	rddreg [dreg:$0x3]  }
0x5: {  	s4 =	simm.s32 $0x0;
	s12 =	simm.s32 $0x16E00;
	s13 =	simm.s32 $0x1  }
0x6: {  	s14 =	simm.s32 $0x16E80;
	s5 =	sand.u32 $0x1, s2;
	s31 =	sshll.u32 s0, $0x1  }
0x7: {  	s16 =	simm.s32 $0xF400;
	s2 =	rddreg [dreg:$0x4];
	s15 =	sor.u32 s5, s31  }
0x8: {  	s17 =	simm.s32 $0x0;
	[smem:$0x7FF] =	sst s4;
	s6 =	smul.u32 $0xF40, s15  }
.Ltmp0:
0x9: {  	s5 =	ssub.s32 $0x2, s5;
	_ =	strace $0x80000047;
	(pc) =	sbr.rel .LBB2_1-.Ltmp0, $4  }
0xa: {  	s9 =	sshrl.u32 s5, $0x1;
	p0 =	sne.s32 s15, $0x1F;
	s15 =	simm.s32 $0x7A00  }
0xb: {  	s11 =	ssub.s32 s5, s9;
	s9 =	sadd.s32 $0x1F200, s10;
	s7 =	sadd.s32 s6, s10  }
0xc: {  	s5 =	sadd.s32 s8, s6;
	s8 =	sadd.s32 $0x1E800, s8;
	s10 =	sadd.s32 $0x3DC00, s10  }
0xd: {  	s11 =	smax.u32 s11, $0x1;
	s6 =	sadd.s32 $0xA00, s7;
	s7 =	sadd.s32 $0x1F400, s7  }
.LBB2_5:
0xe: {  	s17 =	sadd.s32 $0x1, s17  }
0xf: {  	p1 =	sne.s32 s17, s11  }
.Ltmp1:
0x10: {  	_ = 	snop;
	(pc) =	sbr.rel @!p1 .LBB2_6-.Ltmp1, $1  }
0x11: {  	_ =	sdelay $0x3  }
.LBB2_1:
0x12: {  	[tilespmem:s12], [sflag:$0x1] =	stream.linear.gather [hbm4b:s1+s4], $0x80, $0x38;
	[tilespmem:$0x16F00] =	vst v63  }
0x13: {  	_ =	swait.ge [sflag:s13], $0x80  }
0x14: {  	[sflag:s13] =	ssyncset.done $0x0  }
0x15: {  	[sflag:s13] =	ssyncadd.s32 $0xFFFFFF80  }
0x16: {  	[tilespmem:s14], [sflag:$0x1] =	stream.linear.gather [hbm4b:s3+s4], $0x80, $0x38;
	[tilespmem:$0x16F00] =	vst v63  }
0x17: {  	_ =	swait.ge [sflag:s13], $0x80  }
0x18: {  	[sflag:s13] =	ssyncset.done $0x0  }
0x19: {  	[sflag:s13] =	ssyncadd.s32 $0xFFFFFF80  }
0x1a: {  	[tilespmem:s4], [sflag:$0x1] =	stream.linear.gather [hbm4b:s5+s4], $0x7A00, $0x38;
	[tilespmem:$0x16F00] =	vst v63  }
0x1b: {  	_ =	swait.ge [sflag:s13], $0x7A00  }
0x1c: {  	[sflag:s13] =	ssyncset.done $0x0  }
0x1d: {  	s18 =	simm.s32 $0x0;
	[sflag:s13] =	ssyncadd.s32 $0xFFFF8600  }
0x1e: {  	v3 =	vld [tilespmem:s18+$0x0]  }
0x1f: {  	v0 =	vld [tilespmem:s18+$0x10]  }
0x20: {  	v1 =	vld [tilespmem:s18+$0x20]  }
0x21: {  	v2 =	vld [tilespmem:s18+$0x30]  }
0x22: {  	v4 =	vld [tilespmem:s18+$0x40]  }
0x23: {  	v5 =	vld [tilespmem:s18+$0x50]  }
0x24: {  	v6 =	vld [tilespmem:s18+$0x60]  }
0x25: {  	v8 =	vld [tilespmem:s18+$0x70]  }
0x26: {  	s19 =	simm.s32 $0x200;
	v7 =	vld.idx.msk [tilespmem:v3+s12+$0x0], $0xffff  }
.LBB2_2:
0x27: {  	p1 =	sne.s32 s19, $0x1E600;
	v9 =	vld.idx.msk [tilespmem:v0+s12+$0x0], $0xffff  }
0x28: {  	v10 =	vld.idx.msk [tilespmem:v1+s12+$0x0], $0xffff  }
0x29: {  	v11 =	vld.idx.msk [tilespmem:v2+s12+$0x0], $0xffff  }
0x2a: {  	v12 =	vld.idx.msk [tilespmem:v4+s12+$0x0], $0xffff  }
0x2b: {  	v13 =	vld.idx.msk [tilespmem:v5+s12+$0x0], $0xffff  }
0x2c: {  	v14 =	vld.idx.msk [tilespmem:v6+s12+$0x0], $0xffff  }
0x2d: {  	v15 =	vld.idx.msk [tilespmem:v8+s12+$0x0], $0xffff  }
0x2e: {  	v3 =	vld.idx.msk [tilespmem:v3+s14+$0x0], $0xffff  }
0x2f: {  	v8 =	vld.idx.msk [tilespmem:v8+s14+$0x0], $0xffff  }
0x30: {  	v0 =	vld.idx.msk [tilespmem:v0+s14+$0x0], $0xffff  }
0x31: {  	v1 =	vld.idx.msk [tilespmem:v1+s14+$0x0], $0xffff  }
0x32: {  	v2 =	vld.idx.msk [tilespmem:v2+s14+$0x0], $0xffff  }
0x33: {  	v4 =	vld.idx.msk [tilespmem:v4+s14+$0x0], $0xffff  }
0x34: {  	v5 =	vld.idx.msk [tilespmem:v5+s14+$0x0], $0xffff  }
0x35: {  	v16 =	vld.idx.msk [tilespmem:v6+s14+$0x0], $0xffff;
	[tilespmem:s18+$0xF470] =	vst v8  }
0x36: {  	[tilespmem:s18+$0x7A00] =	vst v7  }
0x37: {  	[tilespmem:s18+$0xF400] =	vst v3  }
0x38: {  	[tilespmem:s18+$0x7A10] =	vst v9  }
0x39: {  	[tilespmem:s18+$0xF410] =	vst v0  }
0x3a: {  	[tilespmem:s18+$0x7A20] =	vst v10  }
0x3b: {  	[tilespmem:s18+$0xF420] =	vst v1  }
0x3c: {  	s20 =	sshra.s32 s19, $0x2;
	[tilespmem:s18+$0x7A30] =	vst v11  }
0x3d: {  	v3 =	vld [tilespmem:s20+$0x0];
	[tilespmem:s18+$0xF430] =	vst v2  }
0x3e: {  	v0 =	vld [tilespmem:s20+$0x10];
	[tilespmem:s18+$0x7A40] =	vst v12  }
0x3f: {  	v1 =	vld [tilespmem:s20+$0x20];
	[tilespmem:s18+$0xF440] =	vst v4  }
0x40: {  	v2 =	vld [tilespmem:s20+$0x30];
	[tilespmem:s18+$0x7A50] =	vst v13  }
.Ltmp2:
0x41: {  	v4 =	vld [tilespmem:s20+$0x40];
	[tilespmem:s18+$0xF450] =	vst v5;
	(pc) =	sbr.rel @p1 .LBB2_2-.Ltmp2, $4  }
0x42: {  	v5 =	vld [tilespmem:s20+$0x50];
	[tilespmem:s18+$0x7A60] =	vst v14  }
0x43: {  	v6 =	vld [tilespmem:s20+$0x60];
	[tilespmem:s18+$0xF460] =	vst v16  }
0x44: {  	v8 =	vld [tilespmem:s20+$0x70];
	[tilespmem:s18+$0x7A70] =	vst v15;
	s18 =	smov.u32 s20  }
0x45: {  	s19 =	sadd.s32 $0x200, s19;
	v7 =	vld.idx.msk [tilespmem:v3+s12+$0x0], $0xffff  }
0x46: {  	_ =	sdelay $0x3  }
0x47: {  	v9 =	vld.idx.msk [tilespmem:v0+s12+$0x0], $0xffff  }
0x48: {  	v10 =	vld.idx.msk [tilespmem:v1+s12+$0x0], $0xffff  }
0x49: {  	v11 =	vld.idx.msk [tilespmem:v2+s12+$0x0], $0xffff  }
0x4a: {  	v12 =	vld.idx.msk [tilespmem:v4+s12+$0x0], $0xffff  }
0x4b: {  	v3 =	vld.idx.msk [tilespmem:v3+s14+$0x0], $0xffff  }
0x4c: {  	v58 =	vld.idx.msk [tilespmem:v0+s14+$0x0], $0xffff  }
0x4d: {  	v59 =	vld.idx.msk [tilespmem:v1+s14+$0x0], $0xffff  }
0x4e: {  	v60 =	vld.idx.msk [tilespmem:v2+s14+$0x0], $0xffff  }
0x4f: {  	v61 =	vld.idx.msk [tilespmem:v4+s14+$0x0], $0xffff  }
0x50: {  	v13 =	vld.idx.msk [tilespmem:v5+s12+$0x0], $0xffff  }
0x51: {  	v62 =	vld.idx.msk [tilespmem:v5+s14+$0x0], $0xffff  }
0x52: {  	v14 =	vld.idx.msk [tilespmem:v6+s12+$0x0], $0xffff  }
0x53: {  	v63 =	vld.idx.msk [tilespmem:v6+s14+$0x0], $0xffff  }
0x54: {  	v15 =	vld.idx.msk [tilespmem:v8+s12+$0x0], $0xffff  }
0x55: {  	v57 =	vld.idx.msk [tilespmem:v8+s14+$0x0], $0xffff;
	[tilespmem:s18+$0x7A00] =	vst v7  }
0x56: {  	[tilespmem:s18+$0xF400] =	vst v3  }
0x57: {  	[tilespmem:s18+$0x7A10] =	vst v9  }
0x58: {  	[tilespmem:s18+$0xF410] =	vst v58  }
0x59: {  	[tilespmem:s18+$0x7A20] =	vst v10  }
0x5a: {  	[tilespmem:s18+$0xF420] =	vst v59  }
0x5b: {  	[tilespmem:s18+$0x7A30] =	vst v11  }
0x5c: {  	[tilespmem:s18+$0xF430] =	vst v60  }
0x5d: {  	[tilespmem:s18+$0x7A40] =	vst v12  }
0x5e: {  	[tilespmem:s18+$0xF440] =	vst v61  }
0x5f: {  	[tilespmem:s18+$0x7A50] =	vst v13  }
0x60: {  	[tilespmem:s18+$0xF450] =	vst v62  }
0x61: {  	[tilespmem:s18+$0x7A60] =	vst v14  }
0x62: {  	[tilespmem:s18+$0xF460] =	vst v63  }
0x63: {  	[tilespmem:s18+$0xF470] =	vst v57  }
0x64: {  	[tilespmem:s18+$0x7A70] =	vst v15  }
0x65: {  	[hbm4b:s6+s4] =	stream.linear.scatter [tilespmem:s15], [sflag:$0x1], $0x7A00, $0x38;
	[tilespmem:$0x16F00] =	vst v63  }
0x66: {  	_ =	swait.ge [sflag:s13], $0x7A00  }
0x67: {  	[sflag:s13] =	ssyncset.done $0x0  }
.Ltmp3:
0x68: {  	[sflag:s13] =	ssyncadd.s32 $0xFFFF8600;
	(pc) =	sbr.rel @p0 .LBB2_5-.Ltmp3, $4  }
0x69: {  	[hbm4b:s7+s4] =	stream.linear.scatter [tilespmem:s16], [sflag:$0x1], $0x7A00, $0x38;
	[tilespmem:$0x16F00] =	vst v63  }
0x6a: {  	_ =	swait.ge [sflag:s13], $0x7A00  }
0x6b: {  	[sflag:s13] =	ssyncset.done $0x0  }
0x6c: {  	[sflag:s13] =	ssyncadd.s32 $0xFFFF8600  }
0x6d: {  	[tilespmem:s4], [sflag:$0x1] =	stream.linear.gather [hbm4b:s8+s4], $0x240, $0x38;
	[tilespmem:$0x16F00] =	vst v63  }
0x6e: {  	_ =	swait.ge [sflag:s13], $0x240  }
0x6f: {  	[sflag:s13] =	ssyncset.done $0x0  }
0x70: {  	[sflag:s13] =	ssyncadd.s32 $0xFFFFFDC0  }
0x71: {  	v0 =	vld [tilespmem:$0x0]  }
0x72: {  	v1 =	vld [tilespmem:$0x10]  }
0x73: {  	v2 =	vld [tilespmem:$0x20]  }
0x74: {  	v3 =	vld [tilespmem:$0x30]  }
0x75: {  	v4 =	vld [tilespmem:$0x40]  }
0x76: {  	v5 =	vld [tilespmem:$0x50]  }
0x77: {  	v6 =	vld [tilespmem:$0x60]  }
0x78: {  	v7 =	vld [tilespmem:$0x70]  }
0x79: {  	v8 =	vld.idx.msk [tilespmem:v0+s12+$0x0], $0xffff  }
0x7a: {  	v9 =	vld.idx.msk [tilespmem:v1+s12+$0x0], $0xffff  }
0x7b: {  	v10 =	vld.idx.msk [tilespmem:v2+s12+$0x0], $0xffff  }
0x7c: {  	v11 =	vld.idx.msk [tilespmem:v3+s12+$0x0], $0xffff  }
0x7d: {  	v12 =	vld.idx.msk [tilespmem:v4+s12+$0x0], $0xffff  }
0x7e: {  	v13 =	vld.idx.msk [tilespmem:v5+s12+$0x0], $0xffff  }
0x7f: {  	v14 =	vld.idx.msk [tilespmem:v6+s12+$0x0], $0xffff  }
0x80: {  	v15 =	vld.idx.msk [tilespmem:v7+s12+$0x0], $0xffff  }
0x81: {  	v0 =	vld.idx.msk [tilespmem:v0+s14+$0x0], $0xffff  }
0x82: {  	v1 =	vld.idx.msk [tilespmem:v1+s14+$0x0], $0xffff  }
0x83: {  	v2 =	vld.idx.msk [tilespmem:v2+s14+$0x0], $0xffff  }
0x84: {  	v3 =	vld.idx.msk [tilespmem:v3+s14+$0x0], $0xffff  }
0x85: {  	v4 =	vld.idx.msk [tilespmem:v4+s14+$0x0], $0xffff  }
0x86: {  	v5 =	vld.idx.msk [tilespmem:v5+s14+$0x0], $0xffff  }
0x87: {  	v6 =	vld.idx.msk [tilespmem:v6+s14+$0x0], $0xffff  }
0x88: {  	v7 =	vld.idx.msk [tilespmem:v7+s14+$0x0], $0xffff;
	[tilespmem:$0x7A00] =	vst v8  }
0x89: {  	[tilespmem:$0xF400] =	vst v0  }
0x8a: {  	[tilespmem:$0x7A10] =	vst v9  }
0x8b: {  	[tilespmem:$0xF410] =	vst v1  }
0x8c: {  	[tilespmem:$0x7A20] =	vst v10  }
0x8d: {  	[tilespmem:$0xF420] =	vst v2  }
0x8e: {  	[tilespmem:$0x7A30] =	vst v11  }
0x8f: {  	[tilespmem:$0xF430] =	vst v3  }
0x90: {  	v36 =	vld [tilespmem:$0x80];
	[tilespmem:$0x7A40] =	vst v12  }
0x91: {  	v37 =	vld [tilespmem:$0x90];
	[tilespmem:$0xF440] =	vst v4  }
0x92: {  	v38 =	vld [tilespmem:$0xA0];
	[tilespmem:$0x7A50] =	vst v13  }
0x93: {  	v39 =	vld [tilespmem:$0xB0];
	[tilespmem:$0xF450] =	vst v5  }
0x94: {  	v40 =	vld [tilespmem:$0xC0];
	[tilespmem:$0x7A60] =	vst v14  }
0x95: {  	v41 =	vld [tilespmem:$0xD0];
	[tilespmem:$0xF460] =	vst v6  }
0x96: {  	v42 =	vld [tilespmem:$0xE0];
	[tilespmem:$0x7A70] =	vst v15  }
0x97: {  	v43 =	vld [tilespmem:$0xF0];
	[tilespmem:$0xF470] =	vst v7  }
0x98: {  	v8 =	vld.idx.msk [tilespmem:v36+s12+$0x0], $0xffff  }
0x99: {  	v9 =	vld.idx.msk [tilespmem:v37+s12+$0x0], $0xffff  }
0x9a: {  	v10 =	vld.idx.msk [tilespmem:v38+s12+$0x0], $0xffff  }
0x9b: {  	v11 =	vld.idx.msk [tilespmem:v39+s12+$0x0], $0xffff  }
0x9c: {  	v12 =	vld.idx.msk [tilespmem:v40+s12+$0x0], $0xffff  }
0x9d: {  	v13 =	vld.idx.msk [tilespmem:v41+s12+$0x0], $0xffff  }
0x9e: {  	v14 =	vld.idx.msk [tilespmem:v42+s12+$0x0], $0xffff  }
0x9f: {  	v15 =	vld.idx.msk [tilespmem:v43+s12+$0x0], $0xffff  }
0xa0: {  	v0 =	vld.idx.msk [tilespmem:v36+s14+$0x0], $0xffff  }
0xa1: {  	v1 =	vld.idx.msk [tilespmem:v37+s14+$0x0], $0xffff  }
0xa2: {  	v2 =	vld.idx.msk [tilespmem:v38+s14+$0x0], $0xffff  }
0xa3: {  	v3 =	vld.idx.msk [tilespmem:v39+s14+$0x0], $0xffff  }
0xa4: {  	v4 =	vld.idx.msk [tilespmem:v40+s14+$0x0], $0xffff  }
0xa5: {  	v5 =	vld.idx.msk [tilespmem:v41+s14+$0x0], $0xffff  }
0xa6: {  	v6 =	vld.idx.msk [tilespmem:v42+s14+$0x0], $0xffff  }
0xa7: {  	v7 =	vld.idx.msk [tilespmem:v43+s14+$0x0], $0xffff;
	[tilespmem:$0x7A80] =	vst v8  }
0xa8: {  	[tilespmem:$0xF480] =	vst v0  }
0xa9: {  	[tilespmem:$0x7A90] =	vst v9  }
0xaa: {  	[tilespmem:$0xF490] =	vst v1  }
0xab: {  	[tilespmem:$0x7AA0] =	vst v10  }
0xac: {  	[tilespmem:$0xF4A0] =	vst v2  }
0xad: {  	[tilespmem:$0x7AB0] =	vst v11  }
0xae: {  	[tilespmem:$0xF4B0] =	vst v3  }
0xaf: {  	v44 =	vld [tilespmem:$0x100];
	[tilespmem:$0x7AC0] =	vst v12  }
0xb0: {  	v45 =	vld [tilespmem:$0x110];
	[tilespmem:$0xF4C0] =	vst v4  }
0xb1: {  	v46 =	vld [tilespmem:$0x120];
	[tilespmem:$0x7AD0] =	vst v13  }
0xb2: {  	v47 =	vld [tilespmem:$0x130];
	[tilespmem:$0xF4D0] =	vst v5  }
0xb3: {  	v48 =	vld [tilespmem:$0x140];
	[tilespmem:$0x7AE0] =	vst v14  }
0xb4: {  	v49 =	vld [tilespmem:$0x150];
	[tilespmem:$0xF4E0] =	vst v6  }
0xb5: {  	v50 =	vld [tilespmem:$0x160];
	[tilespmem:$0x7AF0] =	vst v15  }
0xb6: {  	v51 =	vld [tilespmem:$0x170];
	[tilespmem:$0xF4F0] =	vst v7  }
0xb7: {  	v8 =	vld.idx.msk [tilespmem:v44+s12+$0x0], $0xffff  }
0xb8: {  	v9 =	vld.idx.msk [tilespmem:v45+s12+$0x0], $0xffff  }
0xb9: {  	v10 =	vld.idx.msk [tilespmem:v46+s12+$0x0], $0xffff  }
0xba: {  	v11 =	vld.idx.msk [tilespmem:v47+s12+$0x0], $0xffff  }
0xbb: {  	v12 =	vld.idx.msk [tilespmem:v48+s12+$0x0], $0xffff  }
0xbc: {  	v13 =	vld.idx.msk [tilespmem:v49+s12+$0x0], $0xffff  }
0xbd: {  	v14 =	vld.idx.msk [tilespmem:v50+s12+$0x0], $0xffff  }
0xbe: {  	v15 =	vld.idx.msk [tilespmem:v51+s12+$0x0], $0xffff  }
0xbf: {  	v0 =	vld.idx.msk [tilespmem:v44+s14+$0x0], $0xffff  }
0xc0: {  	v1 =	vld.idx.msk [tilespmem:v45+s14+$0x0], $0xffff  }
0xc1: {  	v2 =	vld.idx.msk [tilespmem:v46+s14+$0x0], $0xffff  }
0xc2: {  	v3 =	vld.idx.msk [tilespmem:v47+s14+$0x0], $0xffff  }
0xc3: {  	v4 =	vld.idx.msk [tilespmem:v48+s14+$0x0], $0xffff  }
0xc4: {  	v5 =	vld.idx.msk [tilespmem:v49+s14+$0x0], $0xffff  }
0xc5: {  	v6 =	vld.idx.msk [tilespmem:v50+s14+$0x0], $0xffff  }
0xc6: {  	v7 =	vld.idx.msk [tilespmem:v51+s14+$0x0], $0xffff;
	[tilespmem:$0x7B00] =	vst v8  }
0xc7: {  	[tilespmem:$0xF500] =	vst v0  }
0xc8: {  	[tilespmem:$0x7B10] =	vst v9  }
0xc9: {  	[tilespmem:$0xF510] =	vst v1  }
0xca: {  	[tilespmem:$0x7B20] =	vst v10  }
0xcb: {  	[tilespmem:$0xF520] =	vst v2  }
0xcc: {  	[tilespmem:$0x7B30] =	vst v11  }
0xcd: {  	[tilespmem:$0xF530] =	vst v3  }
0xce: {  	v52 =	vld [tilespmem:$0x180];
	[tilespmem:$0x7B40] =	vst v12  }
0xcf: {  	v53 =	vld [tilespmem:$0x190];
	[tilespmem:$0xF540] =	vst v4  }
0xd0: {  	v54 =	vld [tilespmem:$0x1A0];
	[tilespmem:$0x7B50] =	vst v13  }
0xd1: {  	v55 =	vld [tilespmem:$0x1B0];
	[tilespmem:$0xF550] =	vst v5  }
0xd2: {  	v56 =	vld [tilespmem:$0x1C0];
	[tilespmem:$0x7B60] =	vst v14  }
0xd3: {  	v57 =	vld [tilespmem:$0x1D0];
	[tilespmem:$0xF560] =	vst v6  }
0xd4: {  	v58 =	vld [tilespmem:$0x1E0];
	[tilespmem:$0x7B70] =	vst v15  }
0xd5: {  	v59 =	vld [tilespmem:$0x1F0];
	[tilespmem:$0xF570] =	vst v7  }
0xd6: {  	v8 =	vld.idx.msk [tilespmem:v52+s12+$0x0], $0xffff  }
0xd7: {  	v9 =	vld.idx.msk [tilespmem:v53+s12+$0x0], $0xffff  }
0xd8: {  	v10 =	vld.idx.msk [tilespmem:v54+s12+$0x0], $0xffff  }
0xd9: {  	v11 =	vld.idx.msk [tilespmem:v55+s12+$0x0], $0xffff  }
0xda: {  	v12 =	vld.idx.msk [tilespmem:v56+s12+$0x0], $0xffff  }
0xdb: {  	v13 =	vld.idx.msk [tilespmem:v57+s12+$0x0], $0xffff  }
0xdc: {  	v14 =	vld.idx.msk [tilespmem:v58+s12+$0x0], $0xffff  }
0xdd: {  	v15 =	vld.idx.msk [tilespmem:v59+s12+$0x0], $0xffff  }
0xde: {  	v0 =	vld.idx.msk [tilespmem:v52+s14+$0x0], $0xffff  }
0xdf: {  	v1 =	vld.idx.msk [tilespmem:v53+s14+$0x0], $0xffff  }
0xe0: {  	v2 =	vld.idx.msk [tilespmem:v54+s14+$0x0], $0xffff  }
0xe1: {  	v3 =	vld.idx.msk [tilespmem:v55+s14+$0x0], $0xffff  }
0xe2: {  	v4 =	vld.idx.msk [tilespmem:v56+s14+$0x0], $0xffff  }
0xe3: {  	v5 =	vld.idx.msk [tilespmem:v57+s14+$0x0], $0xffff  }
0xe4: {  	v6 =	vld.idx.msk [tilespmem:v58+s14+$0x0], $0xffff  }
0xe5: {  	v7 =	vld.idx.msk [tilespmem:v59+s14+$0x0], $0xffff;
	[tilespmem:$0x7B80] =	vst v8  }
0xe6: {  	[tilespmem:$0xF580] =	vst v0  }
0xe7: {  	[tilespmem:$0x7B90] =	vst v9  }
0xe8: {  	[tilespmem:$0xF590] =	vst v1  }
0xe9: {  	[tilespmem:$0x7BA0] =	vst v10  }
0xea: {  	[tilespmem:$0xF5A0] =	vst v2  }
0xeb: {  	[tilespmem:$0x7BB0] =	vst v11  }
0xec: {  	[tilespmem:$0xF5B0] =	vst v3  }
0xed: {  	v60 =	vld [tilespmem:$0x200];
	[tilespmem:$0x7BC0] =	vst v12  }
0xee: {  	[tilespmem:$0xF5C0] =	vst v4  }
0xef: {  	[tilespmem:$0x7BD0] =	vst v13  }
0xf0: {  	[tilespmem:$0xF5D0] =	vst v5  }
0xf1: {  	[tilespmem:$0x7BE0] =	vst v14  }
0xf2: {  	[tilespmem:$0xF5E0] =	vst v6  }
0xf3: {  	[tilespmem:$0x7BF0] =	vst v15  }
0xf4: {  	v61 =	vld [tilespmem:$0x210];
	[tilespmem:$0xF5F0] =	vst v7  }
0xf5: {  	v2 =	vld.idx.msk [tilespmem:v60+s12+$0x0], $0xffff  }
0xf6: {  	v0 =	vld.idx.msk [tilespmem:v60+s14+$0x0], $0xffff;
	_ =	sdelay $0x3  }
0xf7: {  	[tilespmem:$0x7C00] =	vst v2  }
0xf8: {  	v62 =	vld [tilespmem:$0x220];
	[tilespmem:$0xF600] =	vst v0  }
0xf9: {  	v2 =	vld.idx.msk [tilespmem:v61+s12+$0x0], $0xffff  }
0xfa: {  	v1 =	vld.idx.msk [tilespmem:v61+s14+$0x0], $0xffff;
	_ =	sdelay $0x3  }
0xfb: {  	[tilespmem:$0x7C10] =	vst v2  }
0xfc: {  	v63 =	vld [tilespmem:$0x230];
	[tilespmem:$0xF610] =	vst v1  }
0xfd: {  	v2 =	vld.idx.msk [tilespmem:v62+s12+$0x0], $0xffff  }
0xfe: {  	v0 =	vld.idx.msk [tilespmem:v62+s14+$0x0], $0xffff;
	_ =	sdelay $0x3  }
0xff: {  	[tilespmem:$0x7C20] =	vst v2  }
0x100: {  	[tilespmem:$0xF620] =	vst v0  }
0x101: {  	v0 =	vld.idx.msk [tilespmem:v63+s12+$0x0], $0xffff  }
0x102: {  	v1 =	vld.idx.msk [tilespmem:v63+s14+$0x0], $0xffff;
	_ =	sdelay $0x3  }
0x103: {  	[tilespmem:$0x7C30] =	vst v0  }
0x104: {  	[tilespmem:$0xF630] =	vst v1  }
0x105: {  	[hbm4b:s9+s4] =	stream.linear.scatter [tilespmem:s15], [sflag:$0x1], $0x240, $0x38;
	[tilespmem:$0x16F00] =	vst v63  }
0x106: {  	_ =	swait.ge [sflag:s13], $0x240  }
0x107: {  	[sflag:s13] =	ssyncset.done $0x0  }
.Ltmp4:
0x108: {  	[sflag:s13] =	ssyncadd.s32 $0xFFFFFDC0;
	(pc) =	sbr.rel .LBB2_5-.Ltmp4, $4  }
0x109: {  	[hbm4b:s10+s4] =	stream.linear.scatter [tilespmem:s16], [sflag:$0x1], $0x240, $0x38;
	[tilespmem:$0x16F00] =	vst v63  }
0x10a: {  	_ =	swait.ge [sflag:s13], $0x240  }
0x10b: {  	[sflag:s13] =	ssyncset.done $0x0  }
0x10c: {  	[sflag:s13] =	ssyncadd.s32 $0xFFFFFDC0  }
.LBB2_6:
0x10d: {  	_ =	sfence.sel $0x180000  }
0x10e: {  	[bflag:$0x0] =	sbarrier.arrive $0xFFFF  }
0x10f: {  	p0 =	sne.s32 s0, $0x0;
	_ =	strace $0x90000047  }
0x110: {  	s0 =	sadd.s32 @!p0 $0x100000, s2;
	[bflag:$0x2] =	sbarrier.arrive $0xFFFF  }
0x111: {  	[sflag:s0] =	ssyncadd.tile.s32 @!p0 $0x1;
	_ =	shalt  }
.Lfunc_end2:
_tile_overlayer_lowered:
.L_overlay_start_2:
0x112: {  	(tag) =	ssettag $0x2  }
0x113: {  	s0 =	rddreg [dreg:$0x0];
	s2 =	stileid.u32  }
0x114: {  	s1 =	rddreg [dreg:$0x1];
	p0 =	sne.s32 s2, $0x0  }
0x115: {  	s3 =	rddreg [dreg:$0x2];
	[bflag:$0x3] =	sbarrier.arrive $0xFFFF;
	s2 =	simm.s32 @!p0 $0x1C01  }
0x116: {  	[timem:s3], [sflag:s2] =	dma.local @!p0 [hbm:s0], s1  }
0x117: {  	s0 =	simm.s32 @!p0 $0x1  }
0x118: {  	_ =	swait.ge @!p0 [sflag:s0], s1  }
0x119: {  	s1 =	ssub.s32 @!p0 $0x0, s1;
	[sflag:s0] =	ssyncset.done @!p0 $0x0  }
0x11a: {  	[sflag:s0] =	ssyncadd.s32 @!p0 s1  }
0x11b: {  	[bflag:$0x3] =	sbarrier.arrive $0xFFFF  }
0x11c: {  	_ =	shalt  }

</sc_bundles>
